<compile_context>
chip_gen: v7x
topology: tpu7x:2x2x1
jax: 0.10.2.dev20260603
libtpu: 0.0.44.dev20260713+nightly
codegen_flags: <defaults>
</compile_context>

<pallas_src>
import functools
import jax
import jax.numpy as jnp
from jax import lax
from jax.experimental import pallas as pl
from jax.experimental.pallas import tpu as pltpu, tpu_sc as plsc

N = 10000
E = 320000
D = 128

NC = 2
NS = 16
NW = NC * NS
K = 128

NPAD = 10240
EPAD = 327680
N_EDGE_CHUNKS = EPAD // K
RCH = 40
SC0_ROUNDS = 2
SC1_ROUNDS = 2
ZROWS = NPAD // NS
WROWS = 624
BPAD = 12288
BCH = 3

_sc_mesh = plsc.VectorSubcoreMesh(core_axis_name="c", subcore_axis_name="s")


@functools.partial(
    pl.kernel,
    out_type=jax.ShapeDtypeStruct((NW * NPAD,), jnp.float32),
    mesh=_sc_mesh,
    compiler_params=pltpu.CompilerParams(needs_layout_passes=False),
    scratch_types=[
        pltpu.VMEM((N_EDGE_CHUNKS // NW, K), jnp.int32),
        pltpu.VMEM((NPAD,), jnp.float32),
        pltpu.SemaphoreType.DMA,
    ],
)
def _deg_kernel(dst_hbm, out_hbm, idx_st, hist_v, sem):
    c = lax.axis_index("c")
    s = lax.axis_index("s")
    wid = c * NS + s
    TCH = N_EDGE_CHUNKS // NW

    def zero(i, _):
        hist_v[pl.ds(i * 16, 16)] = jnp.zeros((16,), jnp.float32)
        return 0

    lax.fori_loop(0, NPAD // 16, zero, 0)
    pltpu.sync_copy(dst_hbm.at[pl.ds(wid * TCH, TCH)], idx_st)
    ones16 = jnp.ones((16,), jnp.float32)

    def body(i, _):
        for j in range(K // 16):
            idx = idx_st[i, pl.ds(j * 16, 16)]
            plsc.addupdate_scatter(hist_v, [idx], ones16)
        return 0

    lax.fori_loop(0, TCH, body, 0)
    pltpu.sync_copy(hist_v, out_hbm.at[pl.ds(wid * NPAD, NPAD)])


@functools.partial(
    pl.kernel,
    out_type=jax.ShapeDtypeStruct((NC * N, D), jnp.float32),
    mesh=_sc_mesh,
    scratch_types=[
        pltpu.VMEM((RCH, K), jnp.int32),
        pltpu.VMEM((RCH, K), jnp.int32),
        pltpu.VMEM((K, D), jnp.float32),
        pltpu.VMEM((K, D), jnp.float32),
        pltpu.VMEM_SHARED((NPAD, D), jnp.float32),
        pltpu.SemaphoreType.DMA,
        pltpu.SemaphoreType.DMA,
    ],
)
def _agg_kernel(g_hbm, src_hbm, dst_hbm, zeros_hbm, out_hbm,
                src_st, dst_st, buf0, buf1, acc_sh, sem0, sem1):
    c = lax.axis_index("c")
    s = lax.axis_index("s")
    pltpu.sync_copy(zeros_hbm, acc_sh.at[pl.ds(s * ZROWS, ZROWS)])
    plsc.subcore_barrier()

    def start_gather(i, buf, sem):
        pltpu.async_copy(g_hbm.at[src_st.at[i]], buf, sem)

    def wait_gather(buf, sem):
        pltpu.make_async_copy(g_hbm.at[pl.ds(0, K)], buf, sem).wait()

    def do_round(row0):
        pltpu.sync_copy(src_hbm.at[pl.ds(row0, RCH)], src_st)
        pltpu.sync_copy(dst_hbm.at[pl.ds(row0, RCH)], dst_st)
        start_gather(0, buf0, sem0)

        def body(j, _):
            i = 2 * j
            start_gather(i + 1, buf1, sem1)
            wait_gather(buf0, sem0)
            pltpu.sync_copy(buf0, acc_sh.at[dst_st.at[i]], add=True)

            @pl.when(i + 2 < RCH)
            def _():
                start_gather(i + 2, buf0, sem0)

            wait_gather(buf1, sem1)
            pltpu.sync_copy(buf1, acc_sh.at[dst_st.at[i + 1]], add=True)
            return 0

        lax.fori_loop(0, RCH // 2, body, 0)

    @pl.when(c == 0)
    def _sc0():
        for r in range(SC0_ROUNDS):
            do_round(s * (SC0_ROUNDS * RCH) + r * RCH)

    @pl.when(c == 1)
    def _sc1():
        for r in range(SC1_ROUNDS):
            do_round(NS * SC0_ROUNDS * RCH + s * (SC1_ROUNDS * RCH) + r * RCH)

    plsc.subcore_barrier()
    pltpu.sync_copy(
        acc_sh.at[pl.ds(s * WROWS, WROWS)],
        out_hbm.at[pl.ds(c * N + s * WROWS, WROWS)],
    )

    @pl.when(s == NS - 1)
    def _tail():
        t = NS * WROWS
        pltpu.sync_copy(
            acc_sh.at[pl.ds(t, N - t)],
            out_hbm.at[pl.ds(c * N + t, N - t)],
        )


@functools.partial(
    pl.kernel,
    out_type=jax.ShapeDtypeStruct((BPAD, D), jnp.float32),
    mesh=_sc_mesh,
    scratch_types=[
        pltpu.VMEM((BCH, K), jnp.int32),
        [pltpu.VMEM((K, D), jnp.float32) for _ in range(BCH)],
        [pltpu.SemaphoreType.DMA for _ in range(BCH)],
    ],
)
def _bgather_kernel(z_hbm, bidx_hbm, out_hbm, idx_st, bufs, sems):
    c = lax.axis_index("c")
    s = lax.axis_index("s")
    wid = c * NS + s
    pltpu.sync_copy(bidx_hbm.at[wid], idx_st)
    for j in range(BCH):
        pltpu.async_copy(z_hbm.at[idx_st.at[j]], bufs[j], sems[j])
    for j in range(BCH):
        pltpu.make_async_copy(z_hbm.at[pl.ds(0, K)], bufs[j], sems[j]).wait()
        pltpu.sync_copy(bufs[j], out_hbm.at[pl.ds((wid * BCH + j) * K, K)])


def _dinv(deg32):
    deg = jnp.sum(deg32, axis=0)[:N] + 1.0
    return lax.rsqrt(deg)


def _mm_body(x_ref, w_ref, deg32_ref, g_ref):
    h = jnp.dot(x_ref[...], w_ref[...], preferred_element_type=jnp.float32)
    g_ref[...] = h * _dinv(deg32_ref[...])[:, None]


def _epilogue_body(s2_ref, g_ref, deg32_ref, b_ref, z_ref):
    dinv = _dinv(deg32_ref[...])
    y = dinv[:, None] * (s2_ref[0] + s2_ref[1] + g_ref[...]) + b_ref[...]
    y = jnp.maximum(y, 0.0)
    m = jnp.max(y, axis=1, keepdims=True)
    t = y - m
    z_ref[...] = t - jnp.log(jnp.sum(jnp.exp(t), axis=1, keepdims=True))


def kernel(x, edge_index, batch_index, W, b):
    src = jnp.pad(edge_index[0], (0, EPAD - E)).reshape(N_EDGE_CHUNKS, K)
    dst = jnp.pad(edge_index[1], (0, EPAD - E),
                  constant_values=N).reshape(N_EDGE_CHUNKS, K)
    bidx = jnp.pad(batch_index, (0, BPAD - N)).reshape(NW, BCH, K)

    zerosD = jnp.zeros((ZROWS, D), jnp.float32)

    deg32 = _deg_kernel(dst).reshape(NW, NPAD)

    g = pl.pallas_call(
        _mm_body,
        out_shape=jax.ShapeDtypeStruct((N, D), jnp.float32),
    )(x, W, deg32)

    s2 = _agg_kernel(g, src, dst, zerosD).reshape(NC, N, D)

    z = pl.pallas_call(
        _epilogue_body,
        out_shape=jax.ShapeDtypeStruct((N, D), jnp.float32),
    )(s2, g, deg32, b.reshape(1, D))

    outp = _bgather_kernel(z, bidx)
    return outp[:N]

# --- scband reference (transcript-rebuilt; emitter-appended) ---
"""Pipeline reference for scband-gcn-7825430413947 (READ-ONLY COPY).

The authoritative reference and input builder live on the scoring server;
editing this copy changes nothing except your own understanding.
"""

import jax, jax.numpy as jnp
import numpy as np

N = 10000
E = 320000
D = 128
C = 128


def setup_inputs(seed: int = 0) -> dict:
    key = jax.random.key(seed)
    k1, k2, k3, k4, k5 = jax.random.split(key, 5)
    x = jax.random.normal(k1, (N, D), dtype=jnp.float32)
    edge_index = jax.random.randint(k2, (2, E), 0, N, dtype=jnp.int32)
    batch_index = jax.random.randint(k3, (N,), 0, N, dtype=jnp.int32)
    # GCNConv(num_features=128, num_classes=128) learned params (glorot-style init)
    W = jax.random.normal(k4, (D, C), dtype=jnp.float32) * (1.0 / np.sqrt(D))
    b = jnp.zeros((C,), dtype=jnp.float32)
    return {"x": x, "edge_index": edge_index, "batch_index": batch_index, "W": W, "b": b}


def _gcn_conv(x, edge_index, W, b):
    n = x.shape[0]
    src = edge_index[0]
    dst = edge_index[1]
    # add self loops (PyG GCNConv default add_self_loops=True)
    loop = jnp.arange(n, dtype=src.dtype)
    src = jnp.concatenate([src, loop], axis=0)
    dst = jnp.concatenate([dst, loop], axis=0)
    # symmetric normalization D^{-1/2} (A+I) D^{-1/2}
    ones = jnp.ones(src.shape[0], dtype=x.dtype)
    deg = jax.ops.segment_sum(ones, dst, num_segments=n)
    deg_inv_sqrt = jnp.where(deg > 0, jax.lax.rsqrt(deg), 0.0)
    norm = deg_inv_sqrt[src] * deg_inv_sqrt[dst]
    # transform then propagate
    h = x @ W
    msg = h[src] * norm[:, None]
    out = jax.ops.segment_sum(msg, dst, num_segments=n)
    return out + b


def reference(x, edge_index, batch_index, W, b):
    h = jax.nn.relu(_gcn_conv(x, edge_index, W, b))
    out = h[batch_index]
    return jax.nn.log_softmax(out, axis=1)

if __name__ == "__main__":
    import jax
    _d = setup_inputs()
    print(jax.jit(kernel)(*tuple(_d.values())))

</pallas_src>

<mosaic_0001>
#map = affine_map<(d0, d1) -> (0, 0)>
#map1 = affine_map<(d0, d1) -> (0)>
module attributes {stable_mosaic.version = 14 : i64} {
  func.func @_deg_kernel(%arg0: i32, %arg1: i32, %arg2: memref<2560x128xi32, #tpu.memory_space<hbm>>, %arg3: memref<327680xf32, #tpu.memory_space<hbm>>, %arg4: memref<80x128xi32, #tpu.memory_space<vmem>>, %arg5: memref<10240xf32, #tpu.memory_space<vmem>>, %arg6: memref<!tpu.dma_semaphore, #tpu.memory_space<semaphore_mem>>) attributes {dimension_semantics = [#tpu.dimension_semantics<core_parallel>, #tpu.dimension_semantics<subcore_parallel>], iteration_bounds = array<i64: 2, 16>, scalar_prefetch = 0 : i64, scratch_operands = 3 : i64, tpu.core_type = #tpu.core_type<sc_vector_subcore>, window_params = [{transform_indices = #map}, {transform_indices = #map1}]} {
    %mul3A = arith.constant 16 : i32
    %mul3A_0 = arith.muli %arg0, %mul3A : i32
    %add3A = arith.addi %mul3A_0, %arg1 : i32
    %scan3A = arith.constant 0 : i32
    %scan3A_1 = arith.constant 0 : i32
    %scan3A_2 = arith.constant 640 : i32
    %scan3A_3 = arith.addi %scan3A_1, %scan3A_2 : i32
    %scan3A_4 = arith.constant 1 : i32
    %scan3A_5 = scf.for %scan3A_19 = %scan3A_1 to %scan3A_3 step %scan3A_4 iter_args(%scan3A_20 = %scan3A) -> (i32)  : i32 {
      %broadcast_in_dim3A_21 = arith.constant 0.000000e+00 : f32
      %broadcast_in_dim3A_22 = vector.broadcast %broadcast_in_dim3A_21 : f32 to vector<16xf32>
      %mul3A_23 = arith.constant 16 : i32
      %mul3A_24 = arith.muli %scan3A_19, %mul3A_23 : i32
      %swap3A = arith.index_cast %mul3A_24 : i32 to index
      %swap3A_25 = tpu.vector_load %arg5[%swap3A] {strides = array<i32>} : memref<10240xf32, #tpu.memory_space<vmem>>, vector<16xf32>,
      tpu.vector_store %arg5[%swap3A], %broadcast_in_dim3A_22 {strides = array<i32>} : memref<10240xf32, #tpu.memory_space<vmem>>, vector<16xf32>,
      %scan3A_26 = arith.constant 0 : i32
      scf.yield %scan3A_26 : i32
    }
    %scan3A_6 = arith.constant 640 : i32
    %mul3A_7 = arith.constant 80 : i32
    %mul3A_8 = arith.muli %add3A, %mul3A_7 : i32
    "tpu.region"() ({
      %run_scoped3A = tpu.sem_alloc : memref<!tpu.dma_semaphore, #tpu.memory_space<semaphore_mem>>
      %dma_start3A = arith.constant 0 : i32
      %dma_start3A_19 = tpu.memref_slice %arg2[%mul3A_8, %dma_start3A] : memref<2560x128xi32, #tpu.memory_space<hbm>> -> memref<80x128xi32, #tpu.memory_space<hbm>>
      %dma_start3A_20 = arith.constant 0 : i32
      %dma_start3A_21 = tpu.memref_slice %arg2[%mul3A_8, %dma_start3A_20] : memref<2560x128xi32, #tpu.memory_space<hbm>> -> memref<80x128xi32, #tpu.memory_space<hbm>>
      tpu.enqueue_dma source(%dma_start3A_21 : memref<80x128xi32, #tpu.memory_space<hbm>>) target(%arg4 : memref<80x128xi32, #tpu.memory_space<vmem>>) target_semaphore(%run_scoped3A : memref<!tpu.dma_semaphore, #tpu.memory_space<semaphore_mem>>)
      %dma_wait3A = arith.constant 0 : i32
      %dma_wait3A_22 = tpu.memref_slice %arg2[%mul3A_8, %dma_wait3A] : memref<2560x128xi32, #tpu.memory_space<hbm>> -> memref<80x128xi32, #tpu.memory_space<hbm>>
      %dma_wait3A_23 = arith.constant 0 : i32
      %dma_wait3A_24 = tpu.memref_slice %arg2[%mul3A_8, %dma_wait3A_23] : memref<2560x128xi32, #tpu.memory_space<hbm>> -> memref<80x128xi32, #tpu.memory_space<hbm>>
      tpu.wait_dma2 semaphore(%run_scoped3A : memref<!tpu.dma_semaphore, #tpu.memory_space<semaphore_mem>>) src(%dma_wait3A_24 : memref<80x128xi32, #tpu.memory_space<hbm>>) dst(%arg4 : memref<80x128xi32, #tpu.memory_space<vmem>>)
      tpu.yield
    }) : () -> ()
    %broadcast_in_dim3A = arith.constant 1.000000e+00 : f32
    %broadcast_in_dim3A_9 = vector.broadcast %broadcast_in_dim3A : f32 to vector<16xf32>
    %scan3A_10 = arith.constant 0 : i32
    %scan3A_11 = arith.constant 0 : i32
    %scan3A_12 = arith.constant 80 : i32
    %scan3A_13 = arith.addi %scan3A_11, %scan3A_12 : i32
    %scan3A_14 = arith.constant 1 : i32
    %scan3A_15 = scf.for %scan3A_19 = %scan3A_11 to %scan3A_13 step %scan3A_14 iter_args(%scan3A_20 = %scan3A_10) -> (i32)  : i32 {
      %get3A = arith.index_cast %scan3A_19 : i32 to index
      %get3A_21 = arith.constant 0 : index
      %get3A_22 = tpu.vector_load %arg4[%get3A, %get3A_21] {strides = array<i32>} : memref<80x128xi32, #tpu.memory_space<vmem>>, vector<16xi32>,
      tpu.vector_store_idx %arg5[%get3A_22], %broadcast_in_dim3A_9 {add = true} : memref<10240xf32, #tpu.memory_space<vmem>>[vector<16xi32>], vector<16xf32>,
      %get3A_23 = arith.index_cast %scan3A_19 : i32 to index
      %get3A_24 = arith.constant 16 : index
      %get3A_25 = tpu.vector_load %arg4[%get3A_23, %get3A_24] {strides = array<i32>} : memref<80x128xi32, #tpu.memory_space<vmem>>, vector<16xi32>,
      tpu.vector_store_idx %arg5[%get3A_25], %broadcast_in_dim3A_9 {add = true} : memref<10240xf32, #tpu.memory_space<vmem>>[vector<16xi32>], vector<16xf32>,
      %get3A_26 = arith.index_cast %scan3A_19 : i32 to index
      %get3A_27 = arith.constant 32 : index
      %get3A_28 = tpu.vector_load %arg4[%get3A_26, %get3A_27] {strides = array<i32>} : memref<80x128xi32, #tpu.memory_space<vmem>>, vector<16xi32>,
      tpu.vector_store_idx %arg5[%get3A_28], %broadcast_in_dim3A_9 {add = true} : memref<10240xf32, #tpu.memory_space<vmem>>[vector<16xi32>], vector<16xf32>,
      %get3A_29 = arith.index_cast %scan3A_19 : i32 to index
      %get3A_30 = arith.constant 48 : index
      %get3A_31 = tpu.vector_load %arg4[%get3A_29, %get3A_30] {strides = array<i32>} : memref<80x128xi32, #tpu.memory_space<vmem>>, vector<16xi32>,
      tpu.vector_store_idx %arg5[%get3A_31], %broadcast_in_dim3A_9 {add = true} : memref<10240xf32, #tpu.memory_space<vmem>>[vector<16xi32>], vector<16xf32>,
      %get3A_32 = arith.index_cast %scan3A_19 : i32 to index
      %get3A_33 = arith.constant 64 : index
      %get3A_34 = tpu.vector_load %arg4[%get3A_32, %get3A_33] {strides = array<i32>} : memref<80x128xi32, #tpu.memory_space<vmem>>, vector<16xi32>,
      tpu.vector_store_idx %arg5[%get3A_34], %broadcast_in_dim3A_9 {add = true} : memref<10240xf32, #tpu.memory_space<vmem>>[vector<16xi32>], vector<16xf32>,
      %get3A_35 = arith.index_cast %scan3A_19 : i32 to index
      %get3A_36 = arith.constant 80 : index
      %get3A_37 = tpu.vector_load %arg4[%get3A_35, %get3A_36] {strides = array<i32>} : memref<80x128xi32, #tpu.memory_space<vmem>>, vector<16xi32>,
      tpu.vector_store_idx %arg5[%get3A_37], %broadcast_in_dim3A_9 {add = true} : memref<10240xf32, #tpu.memory_space<vmem>>[vector<16xi32>], vector<16xf32>,
      %get3A_38 = arith.index_cast %scan3A_19 : i32 to index
      %get3A_39 = arith.constant 96 : index
      %get3A_40 = tpu.vector_load %arg4[%get3A_38, %get3A_39] {strides = array<i32>} : memref<80x128xi32, #tpu.memory_space<vmem>>, vector<16xi32>,
      tpu.vector_store_idx %arg5[%get3A_40], %broadcast_in_dim3A_9 {add = true} : memref<10240xf32, #tpu.memory_space<vmem>>[vector<16xi32>], vector<16xf32>,
      %get3A_41 = arith.index_cast %scan3A_19 : i32 to index
      %get3A_42 = arith.constant 112 : index
      %get3A_43 = tpu.vector_load %arg4[%get3A_41, %get3A_42] {strides = array<i32>} : memref<80x128xi32, #tpu.memory_space<vmem>>, vector<16xi32>,
      tpu.vector_store_idx %arg5[%get3A_43], %broadcast_in_dim3A_9 {add = true} : memref<10240xf32, #tpu.memory_space<vmem>>[vector<16xi32>], vector<16xf32>,
      %scan3A_44 = arith.constant 0 : i32
      scf.yield %scan3A_44 : i32
    }
    %scan3A_16 = arith.constant 80 : i32
    %mul3A_17 = arith.constant 10240 : i32
    %mul3A_18 = arith.muli %add3A, %mul3A_17 : i32
    "tpu.region"() ({
      %run_scoped3A = tpu.sem_alloc : memref<!tpu.dma_semaphore, #tpu.memory_space<semaphore_mem>>
      %dma_start3A = tpu.memref_slice %arg3[%mul3A_18] : memref<327680xf32, #tpu.memory_space<hbm>> -> memref<10240xf32, #tpu.memory_space<hbm>>
      %dma_start3A_19 = tpu.memref_slice %arg3[%mul3A_18] : memref<327680xf32, #tpu.memory_space<hbm>> -> memref<10240xf32, #tpu.memory_space<hbm>>
      tpu.enqueue_dma source(%arg5 : memref<10240xf32, #tpu.memory_space<vmem>>) target(%dma_start3A_19 : memref<10240xf32, #tpu.memory_space<hbm>>) target_semaphore(%run_scoped3A : memref<!tpu.dma_semaphore, #tpu.memory_space<semaphore_mem>>)
      %dma_wait3A = tpu.memref_slice %arg3[%mul3A_18] : memref<327680xf32, #tpu.memory_space<hbm>> -> memref<10240xf32, #tpu.memory_space<hbm>>
      %dma_wait3A_20 = tpu.memref_slice %arg3[%mul3A_18] : memref<327680xf32, #tpu.memory_space<hbm>> -> memref<10240xf32, #tpu.memory_space<hbm>>
      tpu.wait_dma2 semaphore(%run_scoped3A : memref<!tpu.dma_semaphore, #tpu.memory_space<semaphore_mem>>) src(%arg5 : memref<10240xf32, #tpu.memory_space<vmem>>) dst(%dma_wait3A_20 : memref<10240xf32, #tpu.memory_space<hbm>>)
      tpu.yield
    }) : () -> ()
    return
  }
}

#map = affine_map<(d0, d1) -> (0, 0)>
module attributes {stable_mosaic.version = 14 : i64} {
  func.func @_agg_kernel(%arg0: i32, %arg1: i32, %arg2: memref<10000x128xf32, #tpu.memory_space<hbm>>, %arg3: memref<2560x128xi32, #tpu.memory_space<hbm>>, %arg4: memref<2560x128xi32, #tpu.memory_space<hbm>>, %arg5: memref<640x128xf32, #tpu.memory_space<hbm>>, %arg6: memref<20000x128xf32, #tpu.memory_space<hbm>>, %arg7: memref<40x128xi32, #tpu.memory_space<vmem>>, %arg8: memref<40x128xi32, #tpu.memory_space<vmem>>, %arg9: memref<128x128xf32, #tpu.memory_space<vmem>>, %arg10: memref<128x128xf32, #tpu.memory_space<vmem>>, %arg11: memref<10240x128xf32, #tpu.memory_space<vmem_shared>>, %arg12: memref<!tpu.dma_semaphore, #tpu.memory_space<semaphore_mem>>, %arg13: memref<!tpu.dma_semaphore, #tpu.memory_space<semaphore_mem>>) attributes {dimension_semantics = [#tpu.dimension_semantics<core_parallel>, #tpu.dimension_semantics<subcore_parallel>], iteration_bounds = array<i64: 2, 16>, scalar_prefetch = 0 : i64, scratch_operands = 7 : i64, tpu.core_type = #tpu.core_type<sc_vector_subcore>, window_params = [{transform_indices = #map}, {transform_indices = #map}, {transform_indices = #map}, {transform_indices = #map}, {transform_indices = #map}]} {
    %mul3A = arith.constant 640 : i32
    %mul3A_0 = arith.muli %arg1, %mul3A : i32
    "tpu.region"() ({
      %run_scoped3A = tpu.sem_alloc : memref<!tpu.dma_semaphore, #tpu.memory_space<semaphore_mem>>
      %dma_start3A = arith.constant 0 : i32
      %dma_start3A_20 = tpu.memref_slice %arg11[%mul3A_0, %dma_start3A] : memref<10240x128xf32, #tpu.memory_space<vmem_shared>> -> memref<640x128xf32, #tpu.memory_space<vmem_shared>>
      tpu.enqueue_dma source(%arg5 : memref<640x128xf32, #tpu.memory_space<hbm>>) target(%dma_start3A_20 : memref<640x128xf32, #tpu.memory_space<vmem_shared>>) target_semaphore(%run_scoped3A : memref<!tpu.dma_semaphore, #tpu.memory_space<semaphore_mem>>)
      %dma_wait3A = arith.constant 0 : i32
      %dma_wait3A_21 = tpu.memref_slice %arg11[%mul3A_0, %dma_wait3A] : memref<10240x128xf32, #tpu.memory_space<vmem_shared>> -> memref<640x128xf32, #tpu.memory_space<vmem_shared>>
      tpu.wait_dma2 semaphore(%run_scoped3A : memref<!tpu.dma_semaphore, #tpu.memory_space<semaphore_mem>>) src(%arg5 : memref<640x128xf32, #tpu.memory_space<hbm>>) dst(%dma_wait3A_21 : memref<640x128xf32, #tpu.memory_space<vmem_shared>>)
      tpu.yield
    }) : () -> ()
    %barrier3A = arith.constant 0 : index
    tpu.barrier barrier_id(%barrier3A)
    %eq3A = arith.constant 0 : i32
    %eq3A_1 = arith.cmpi eq, %arg0, %eq3A : i32
    %convert_element_type3A = arith.extui %eq3A_1 : i1 to i32
    %cond3A = arith.constant 0 : i32
    %cond3A_2 = arith.cmpi ne, %convert_element_type3A, %cond3A : i32
    scf.if %cond3A_2 {
      %mul3A_20 = arith.constant 80 : i32
      %mul3A_21 = arith.muli %arg1, %mul3A_20 : i32
      %add3A_22 = arith.constant 0 : i32
      %add3A_23 = arith.addi %mul3A_21, %add3A_22 : i32
      "tpu.region"() ({
        %run_scoped3A = tpu.sem_alloc : memref<!tpu.dma_semaphore, #tpu.memory_space<semaphore_mem>>
        %dma_start3A_54 = arith.constant 0 : i32
        %dma_start3A_55 = tpu.memref_slice %arg3[%add3A_23, %dma_start3A_54] : memref<2560x128xi32, #tpu.memory_space<hbm>> -> memref<40x128xi32, #tpu.memory_space<hbm>>
        %dma_start3A_56 = arith.constant 0 : i32
        %dma_start3A_57 = tpu.memref_slice %arg3[%add3A_23, %dma_start3A_56] : memref<2560x128xi32, #tpu.memory_space<hbm>> -> memref<40x128xi32, #tpu.memory_space<hbm>>
        tpu.enqueue_dma source(%dma_start3A_57 : memref<40x128xi32, #tpu.memory_space<hbm>>) target(%arg7 : memref<40x128xi32, #tpu.memory_space<vmem>>) target_semaphore(%run_scoped3A : memref<!tpu.dma_semaphore, #tpu.memory_space<semaphore_mem>>)
        %dma_wait3A = arith.constant 0 : i32
        %dma_wait3A_58 = tpu.memref_slice %arg3[%add3A_23, %dma_wait3A] : memref<2560x128xi32, #tpu.memory_space<hbm>> -> memref<40x128xi32, #tpu.memory_space<hbm>>
        %dma_wait3A_59 = arith.constant 0 : i32
        %dma_wait3A_60 = tpu.memref_slice %arg3[%add3A_23, %dma_wait3A_59] : memref<2560x128xi32, #tpu.memory_space<hbm>> -> memref<40x128xi32, #tpu.memory_space<hbm>>
        tpu.wait_dma2 semaphore(%run_scoped3A : memref<!tpu.dma_semaphore, #tpu.memory_space<semaphore_mem>>) src(%dma_wait3A_60 : memref<40x128xi32, #tpu.memory_space<hbm>>) dst(%arg7 : memref<40x128xi32, #tpu.memory_space<vmem>>)
        tpu.yield
      }) : () -> ()
      "tpu.region"() ({
        %run_scoped3A = tpu.sem_alloc : memref<!tpu.dma_semaphore, #tpu.memory_space<semaphore_mem>>
        %dma_start3A_54 = arith.constant 0 : i32
        %dma_start3A_55 = tpu.memref_slice %arg4[%add3A_23, %dma_start3A_54] : memref<2560x128xi32, #tpu.memory_space<hbm>> -> memref<40x128xi32, #tpu.memory_space<hbm>>
        %dma_start3A_56 = arith.constant 0 : i32
        %dma_start3A_57 = tpu.memref_slice %arg4[%add3A_23, %dma_start3A_56] : memref<2560x128xi32, #tpu.memory_space<hbm>> -> memref<40x128xi32, #tpu.memory_space<hbm>>
        tpu.enqueue_dma source(%dma_start3A_57 : memref<40x128xi32, #tpu.memory_space<hbm>>) target(%arg8 : memref<40x128xi32, #tpu.memory_space<vmem>>) target_semaphore(%run_scoped3A : memref<!tpu.dma_semaphore, #tpu.memory_space<semaphore_mem>>)
        %dma_wait3A = arith.constant 0 : i32
        %dma_wait3A_58 = tpu.memref_slice %arg4[%add3A_23, %dma_wait3A] : memref<2560x128xi32, #tpu.memory_space<hbm>> -> memref<40x128xi32, #tpu.memory_space<hbm>>
        %dma_wait3A_59 = arith.constant 0 : i32
        %dma_wait3A_60 = tpu.memref_slice %arg4[%add3A_23, %dma_wait3A_59] : memref<2560x128xi32, #tpu.memory_space<hbm>> -> memref<40x128xi32, #tpu.memory_space<hbm>>
        tpu.wait_dma2 semaphore(%run_scoped3A : memref<!tpu.dma_semaphore, #tpu.memory_space<semaphore_mem>>) src(%dma_wait3A_60 : memref<40x128xi32, #tpu.memory_space<hbm>>) dst(%arg8 : memref<40x128xi32, #tpu.memory_space<vmem>>)
        tpu.yield
      }) : () -> ()
      %dma_start3A = arith.constant 0 : i32
      %dma_start3A_24 = arith.constant 0 : i32
      %dma_start3A_25 = tpu.memref_slice %arg7[%dma_start3A, %dma_start3A_24] : memref<40x128xi32, #tpu.memory_space<vmem>> -> memref<1x128xi32, #tpu.memory_space<vmem>>
      %dma_start3A_26 = tpu.memref_squeeze %dma_start3A_25 : memref<1x128xi32, #tpu.memory_space<vmem>> -> memref<128xi32, #tpu.memory_space<vmem>>
      %dma_start3A_27 = arith.constant 0 : i32
      %dma_start3A_28 = arith.constant 0 : i32
      %dma_start3A_29 = tpu.memref_slice %arg2[%dma_start3A_27, %dma_start3A_28] : memref<10000x128xf32, #tpu.memory_space<hbm>> -> memref<10000x128xf32, #tpu.memory_space<hbm>>
      tpu.enqueue_indirect_dma source(%dma_start3A_29 : memref<10000x128xf32, #tpu.memory_space<hbm>>) target(%arg9 : memref<128x128xf32, #tpu.memory_space<vmem>>) offsets(%dma_start3A_26 : memref<128xi32, #tpu.memory_space<vmem>>) semaphore(%arg12 : memref<!tpu.dma_semaphore, #tpu.memory_space<semaphore_mem>>)
      %scan3A = arith.constant 0 : i32
      %scan3A_30 = arith.constant 0 : i32
      %scan3A_31 = arith.constant 20 : i32
      %scan3A_32 = arith.addi %scan3A_30, %scan3A_31 : i32
      %scan3A_33 = arith.constant 1 : i32
      %scan3A_34 = scf.for %scan3A_54 = %scan3A_30 to %scan3A_32 step %scan3A_33 iter_args(%scan3A_55 = %scan3A) -> (i32)  : i32 {
        %mul3A_56 = arith.constant 2 : i32
        %mul3A_57 = arith.muli %mul3A_56, %scan3A_54 : i32
        %add3A_58 = arith.constant 1 : i32
        %add3A_59 = arith.addi %mul3A_57, %add3A_58 : i32
        %dma_start3A_60 = arith.constant 0 : i32
        %dma_start3A_61 = tpu.memref_slice %arg7[%add3A_59, %dma_start3A_60] : memref<40x128xi32, #tpu.memory_space<vmem>> -> memref<1x128xi32, #tpu.memory_space<vmem>>
        %dma_start3A_62 = tpu.memref_squeeze %dma_start3A_61 : memref<1x128xi32, #tpu.memory_space<vmem>> -> memref<128xi32, #tpu.memory_space<vmem>>
        %dma_start3A_63 = arith.constant 0 : i32
        %dma_start3A_64 = arith.constant 0 : i32
        %dma_start3A_65 = tpu.memref_slice %arg2[%dma_start3A_63, %dma_start3A_64] : memref<10000x128xf32, #tpu.memory_space<hbm>> -> memref<10000x128xf32, #tpu.memory_space<hbm>>
        tpu.enqueue_indirect_dma source(%dma_start3A_65 : memref<10000x128xf32, #tpu.memory_space<hbm>>) target(%arg10 : memref<128x128xf32, #tpu.memory_space<vmem>>) offsets(%dma_start3A_62 : memref<128xi32, #tpu.memory_space<vmem>>) semaphore(%arg13 : memref<!tpu.dma_semaphore, #tpu.memory_space<semaphore_mem>>)
        %dma_wait3A = arith.constant 0 : i32
        %dma_wait3A_66 = arith.constant 0 : i32
        %dma_wait3A_67 = tpu.memref_slice %arg2[%dma_wait3A, %dma_wait3A_66] : memref<10000x128xf32, #tpu.memory_space<hbm>> -> memref<128x128xf32, #tpu.memory_space<hbm>>
        %dma_wait3A_68 = arith.constant 0 : i32
        %dma_wait3A_69 = arith.constant 0 : i32
        %dma_wait3A_70 = tpu.memref_slice %arg2[%dma_wait3A_68, %dma_wait3A_69] : memref<10000x128xf32, #tpu.memory_space<hbm>> -> memref<128x128xf32, #tpu.memory_space<hbm>>
        tpu.wait_dma2 semaphore(%arg12 : memref<!tpu.dma_semaphore, #tpu.memory_space<semaphore_mem>>) src(%dma_wait3A_70 : memref<128x128xf32, #tpu.memory_space<hbm>>) dst(%arg9 : memref<128x128xf32, #tpu.memory_space<vmem>>)
        "tpu.region"() ({
          %run_scoped3A = tpu.sem_alloc : memref<!tpu.dma_semaphore, #tpu.memory_space<semaphore_mem>>
          %dma_start3A_86 = arith.constant 0 : i32
          %dma_start3A_87 = tpu.memref_slice %arg8[%mul3A_57, %dma_start3A_86] : memref<40x128xi32, #tpu.memory_space<vmem>> -> memref<1x128xi32, #tpu.memory_space<vmem>>
          %dma_start3A_88 = tpu.memref_squeeze %dma_start3A_87 : memref<1x128xi32, #tpu.memory_space<vmem>> -> memref<128xi32, #tpu.memory_space<vmem>>
          %dma_start3A_89 = arith.constant 0 : i32
          %dma_start3A_90 = arith.constant 0 : i32
          %dma_start3A_91 = tpu.memref_slice %arg11[%dma_start3A_89, %dma_start3A_90] : memref<10240x128xf32, #tpu.memory_space<vmem_shared>> -> memref<10240x128xf32, #tpu.memory_space<vmem_shared>>
          tpu.enqueue_indirect_dma source(%arg9 : memref<128x128xf32, #tpu.memory_space<vmem>>) target(%dma_start3A_91 : memref<10240x128xf32, #tpu.memory_space<vmem_shared>>) offsets(%dma_start3A_88 : memref<128xi32, #tpu.memory_space<vmem>>) semaphore(%run_scoped3A : memref<!tpu.dma_semaphore, #tpu.memory_space<semaphore_mem>>) {add = true}
          %dma_wait3A_92 = arith.constant 0 : i32
          %dma_wait3A_93 = tpu.memref_slice %arg8[%mul3A_57, %dma_wait3A_92] : memref<40x128xi32, #tpu.memory_space<vmem>> -> memref<1x128xi32, #tpu.memory_space<vmem>>
          %dma_wait3A_94 = tpu.memref_squeeze %dma_wait3A_93 : memref<1x128xi32, #tpu.memory_space<vmem>> -> memref<128xi32, #tpu.memory_space<vmem>>
          %dma_wait3A_95 = arith.constant 0 : i32
          %dma_wait3A_96 = arith.constant 0 : i32
          %dma_wait3A_97 = tpu.memref_slice %arg11[%dma_wait3A_95, %dma_wait3A_96] : memref<10240x128xf32, #tpu.memory_space<vmem_shared>> -> memref<10240x128xf32, #tpu.memory_space<vmem_shared>>
          tpu.wait_indirect_dma semaphore(%run_scoped3A : memref<!tpu.dma_semaphore, #tpu.memory_space<semaphore_mem>>) src(%arg9 : memref<128x128xf32, #tpu.memory_space<vmem>>) dst(%dma_wait3A_97 : memref<10240x128xf32, #tpu.memory_space<vmem_shared>>)
          tpu.yield
        }) : () -> ()
        %add3A_71 = arith.constant 2 : i32
        %add3A_72 = arith.addi %mul3A_57, %add3A_71 : i32
        %lt3A = arith.constant 40 : i32
        %lt3A_73 = arith.cmpi slt, %add3A_72, %lt3A : i32
        %convert_element_type3A_74 = arith.extui %lt3A_73 : i1 to i32
        %cond3A_75 = arith.constant 0 : i32
        %cond3A_76 = arith.cmpi ne, %convert_element_type3A_74, %cond3A_75 : i32
        scf.if %cond3A_76 {
          %add3A_86 = arith.constant 2 : i32
          %add3A_87 = arith.addi %mul3A_57, %add3A_86 : i32
          %dma_start3A_88 = arith.constant 0 : i32
          %dma_start3A_89 = tpu.memref_slice %arg7[%add3A_87, %dma_start3A_88] : memref<40x128xi32, #tpu.memory_space<vmem>> -> memref<1x128xi32, #tpu.memory_space<vmem>>
          %dma_start3A_90 = tpu.memref_squeeze %dma_start3A_89 : memref<1x128xi32, #tpu.memory_space<vmem>> -> memref<128xi32, #tpu.memory_space<vmem>>
          %dma_start3A_91 = arith.constant 0 : i32
          %dma_start3A_92 = arith.constant 0 : i32
          %dma_start3A_93 = tpu.memref_slice %arg2[%dma_start3A_91, %dma_start3A_92] : memref<10000x128xf32, #tpu.memory_space<hbm>> -> memref<10000x128xf32, #tpu.memory_space<hbm>>
          tpu.enqueue_indirect_dma source(%dma_start3A_93 : memref<10000x128xf32, #tpu.memory_space<hbm>>) target(%arg9 : memref<128x128xf32, #tpu.memory_space<vmem>>) offsets(%dma_start3A_90 : memref<128xi32, #tpu.memory_space<vmem>>) semaphore(%arg12 : memref<!tpu.dma_semaphore, #tpu.memory_space<semaphore_mem>>)
        } else {
        }
        %dma_wait3A_77 = arith.constant 0 : i32
        %dma_wait3A_78 = arith.constant 0 : i32
        %dma_wait3A_79 = tpu.memref_slice %arg2[%dma_wait3A_77, %dma_wait3A_78] : memref<10000x128xf32, #tpu.memory_space<hbm>> -> memref<128x128xf32, #tpu.memory_space<hbm>>
        %dma_wait3A_80 = arith.constant 0 : i32
        %dma_wait3A_81 = arith.constant 0 : i32
        %dma_wait3A_82 = tpu.memref_slice %arg2[%dma_wait3A_80, %dma_wait3A_81] : memref<10000x128xf32, #tpu.memory_space<hbm>> -> memref<128x128xf32, #tpu.memory_space<hbm>>
        tpu.wait_dma2 semaphore(%arg13 : memref<!tpu.dma_semaphore, #tpu.memory_space<semaphore_mem>>) src(%dma_wait3A_82 : memref<128x128xf32, #tpu.memory_space<hbm>>) dst(%arg10 : memref<128x128xf32, #tpu.memory_space<vmem>>)
        %add3A_83 = arith.constant 1 : i32
        %add3A_84 = arith.addi %mul3A_57, %add3A_83 : i32
        "tpu.region"() ({
          %run_scoped3A = tpu.sem_alloc : memref<!tpu.dma_semaphore, #tpu.memory_space<semaphore_mem>>
          %dma_start3A_86 = arith.constant 0 : i32
          %dma_start3A_87 = tpu.memref_slice %arg8[%add3A_84, %dma_start3A_86] : memref<40x128xi32, #tpu.memory_space<vmem>> -> memref<1x128xi32, #tpu.memory_space<vmem>>
          %dma_start3A_88 = tpu.memref_squeeze %dma_start3A_87 : memref<1x128xi32, #tpu.memory_space<vmem>> -> memref<128xi32, #tpu.memory_space<vmem>>
          %dma_start3A_89 = arith.constant 0 : i32
          %dma_start3A_90 = arith.constant 0 : i32
          %dma_start3A_91 = tpu.memref_slice %arg11[%dma_start3A_89, %dma_start3A_90] : memref<10240x128xf32, #tpu.memory_space<vmem_shared>> -> memref<10240x128xf32, #tpu.memory_space<vmem_shared>>
          tpu.enqueue_indirect_dma source(%arg10 : memref<128x128xf32, #tpu.memory_space<vmem>>) target(%dma_start3A_91 : memref<10240x128xf32, #tpu.memory_space<vmem_shared>>) offsets(%dma_start3A_88 : memref<128xi32, #tpu.memory_space<vmem>>) semaphore(%run_scoped3A : memref<!tpu.dma_semaphore, #tpu.memory_space<semaphore_mem>>) {add = true}
          %dma_wait3A_92 = arith.constant 0 : i32
          %dma_wait3A_93 = tpu.memref_slice %arg8[%add3A_84, %dma_wait3A_92] : memref<40x128xi32, #tpu.memory_space<vmem>> -> memref<1x128xi32, #tpu.memory_space<vmem>>
          %dma_wait3A_94 = tpu.memref_squeeze %dma_wait3A_93 : memref<1x128xi32, #tpu.memory_space<vmem>> -> memref<128xi32, #tpu.memory_space<vmem>>
          %dma_wait3A_95 = arith.constant 0 : i32
          %dma_wait3A_96 = arith.constant 0 : i32
          %dma_wait3A_97 = tpu.memref_slice %arg11[%dma_wait3A_95, %dma_wait3A_96] : memref<10240x128xf32, #tpu.memory_space<vmem_shared>> -> memref<10240x128xf32, #tpu.memory_space<vmem_shared>>
          tpu.wait_indirect_dma semaphore(%run_scoped3A : memref<!tpu.dma_semaphore, #tpu.memory_space<semaphore_mem>>) src(%arg10 : memref<128x128xf32, #tpu.memory_space<vmem>>) dst(%dma_wait3A_97 : memref<10240x128xf32, #tpu.memory_space<vmem_shared>>)
          tpu.yield
        }) : () -> ()
        %scan3A_85 = arith.constant 0 : i32
        scf.yield %scan3A_85 : i32
      }
      %scan3A_35 = arith.constant 20 : i32
      %mul3A_36 = arith.constant 80 : i32
      %mul3A_37 = arith.muli %arg1, %mul3A_36 : i32
      %add3A_38 = arith.constant 40 : i32
      %add3A_39 = arith.addi %mul3A_37, %add3A_38 : i32
      "tpu.region"() ({
        %run_scoped3A = tpu.sem_alloc : memref<!tpu.dma_semaphore, #tpu.memory_space<semaphore_mem>>
        %dma_start3A_54 = arith.constant 0 : i32
        %dma_start3A_55 = tpu.memref_slice %arg3[%add3A_39, %dma_start3A_54] : memref<2560x128xi32, #tpu.memory_space<hbm>> -> memref<40x128xi32, #tpu.memory_space<hbm>>
        %dma_start3A_56 = arith.constant 0 : i32
        %dma_start3A_57 = tpu.memref_slice %arg3[%add3A_39, %dma_start3A_56] : memref<2560x128xi32, #tpu.memory_space<hbm>> -> memref<40x128xi32, #tpu.memory_space<hbm>>
        tpu.enqueue_dma source(%dma_start3A_57 : memref<40x128xi32, #tpu.memory_space<hbm>>) target(%arg7 : memref<40x128xi32, #tpu.memory_space<vmem>>) target_semaphore(%run_scoped3A : memref<!tpu.dma_semaphore, #tpu.memory_space<semaphore_mem>>)
        %dma_wait3A = arith.constant 0 : i32
        %dma_wait3A_58 = tpu.memref_slice %arg3[%add3A_39, %dma_wait3A] : memref<2560x128xi32, #tpu.memory_space<hbm>> -> memref<40x128xi32, #tpu.memory_space<hbm>>
        %dma_wait3A_59 = arith.constant 0 : i32
        %dma_wait3A_60 = tpu.memref_slice %arg3[%add3A_39, %dma_wait3A_59] : memref<2560x128xi32, #tpu.memory_space<hbm>> -> memref<40x128xi32, #tpu.memory_space<hbm>>
        tpu.wait_dma2 semaphore(%run_scoped3A : memref<!tpu.dma_semaphore, #tpu.memory_space<semaphore_mem>>) src(%dma_wait3A_60 : memref<40x128xi32, #tpu.memory_space<hbm>>) dst(%arg7 : memref<40x128xi32, #tpu.memory_space<vmem>>)
        tpu.yield
      }) : () -> ()
      "tpu.region"() ({
        %run_scoped3A = tpu.sem_alloc : memref<!tpu.dma_semaphore, #tpu.memory_space<semaphore_mem>>
        %dma_start3A_54 = arith.constant 0 : i32
        %dma_start3A_55 = tpu.memref_slice %arg4[%add3A_39, %dma_start3A_54] : memref<2560x128xi32, #tpu.memory_space<hbm>> -> memref<40x128xi32, #tpu.memory_space<hbm>>
        %dma_start3A_56 = arith.constant 0 : i32
        %dma_start3A_57 = tpu.memref_slice %arg4[%add3A_39, %dma_start3A_56] : memref<2560x128xi32, #tpu.memory_space<hbm>> -> memref<40x128xi32, #tpu.memory_space<hbm>>
        tpu.enqueue_dma source(%dma_start3A_57 : memref<40x128xi32, #tpu.memory_space<hbm>>) target(%arg8 : memref<40x128xi32, #tpu.memory_space<vmem>>) target_semaphore(%run_scoped3A : memref<!tpu.dma_semaphore, #tpu.memory_space<semaphore_mem>>)
        %dma_wait3A = arith.constant 0 : i32
        %dma_wait3A_58 = tpu.memref_slice %arg4[%add3A_39, %dma_wait3A] : memref<2560x128xi32, #tpu.memory_space<hbm>> -> memref<40x128xi32, #tpu.memory_space<hbm>>
        %dma_wait3A_59 = arith.constant 0 : i32
        %dma_wait3A_60 = tpu.memref_slice %arg4[%add3A_39, %dma_wait3A_59] : memref<2560x128xi32, #tpu.memory_space<hbm>> -> memref<40x128xi32, #tpu.memory_space<hbm>>
        tpu.wait_dma2 semaphore(%run_scoped3A : memref<!tpu.dma_semaphore, #tpu.memory_space<semaphore_mem>>) src(%dma_wait3A_60 : memref<40x128xi32, #tpu.memory_space<hbm>>) dst(%arg8 : memref<40x128xi32, #tpu.memory_space<vmem>>)
        tpu.yield
      }) : () -> ()
      %dma_start3A_40 = arith.constant 0 : i32
      %dma_start3A_41 = arith.constant 0 : i32
      %dma_start3A_42 = tpu.memref_slice %arg7[%dma_start3A_40, %dma_start3A_41] : memref<40x128xi32, #tpu.memory_space<vmem>> -> memref<1x128xi32, #tpu.memory_space<vmem>>
      %dma_start3A_43 = tpu.memref_squeeze %dma_start3A_42 : memref<1x128xi32, #tpu.memory_space<vmem>> -> memref<128xi32, #tpu.memory_space<vmem>>
      %dma_start3A_44 = arith.constant 0 : i32
      %dma_start3A_45 = arith.constant 0 : i32
      %dma_start3A_46 = tpu.memref_slice %arg2[%dma_start3A_44, %dma_start3A_45] : memref<10000x128xf32, #tpu.memory_space<hbm>> -> memref<10000x128xf32, #tpu.memory_space<hbm>>
      tpu.enqueue_indirect_dma source(%dma_start3A_46 : memref<10000x128xf32, #tpu.memory_space<hbm>>) target(%arg9 : memref<128x128xf32, #tpu.memory_space<vmem>>) offsets(%dma_start3A_43 : memref<128xi32, #tpu.memory_space<vmem>>) semaphore(%arg12 : memref<!tpu.dma_semaphore, #tpu.memory_space<semaphore_mem>>)
      %scan3A_47 = arith.constant 0 : i32
      %scan3A_48 = arith.constant 0 : i32
      %scan3A_49 = arith.constant 20 : i32
      %scan3A_50 = arith.addi %scan3A_48, %scan3A_49 : i32
      %scan3A_51 = arith.constant 1 : i32
      %scan3A_52 = scf.for %scan3A_54 = %scan3A_48 to %scan3A_50 step %scan3A_51 iter_args(%scan3A_55 = %scan3A_47) -> (i32)  : i32 {
        %mul3A_56 = arith.constant 2 : i32
        %mul3A_57 = arith.muli %mul3A_56, %scan3A_54 : i32
        %add3A_58 = arith.constant 1 : i32
        %add3A_59 = arith.addi %mul3A_57, %add3A_58 : i32
        %dma_start3A_60 = arith.constant 0 : i32
        %dma_start3A_61 = tpu.memref_slice %arg7[%add3A_59, %dma_start3A_60] : memref<40x128xi32, #tpu.memory_space<vmem>> -> memref<1x128xi32, #tpu.memory_space<vmem>>
        %dma_start3A_62 = tpu.memref_squeeze %dma_start3A_61 : memref<1x128xi32, #tpu.memory_space<vmem>> -> memref<128xi32, #tpu.memory_space<vmem>>
        %dma_start3A_63 = arith.constant 0 : i32
        %dma_start3A_64 = arith.constant 0 : i32
        %dma_start3A_65 = tpu.memref_slice %arg2[%dma_start3A_63, %dma_start3A_64] : memref<10000x128xf32, #tpu.memory_space<hbm>> -> memref<10000x128xf32, #tpu.memory_space<hbm>>
        tpu.enqueue_indirect_dma source(%dma_start3A_65 : memref<10000x128xf32, #tpu.memory_space<hbm>>) target(%arg10 : memref<128x128xf32, #tpu.memory_space<vmem>>) offsets(%dma_start3A_62 : memref<128xi32, #tpu.memory_space<vmem>>) semaphore(%arg13 : memref<!tpu.dma_semaphore, #tpu.memory_space<semaphore_mem>>)
        %dma_wait3A = arith.constant 0 : i32
        %dma_wait3A_66 = arith.constant 0 : i32
        %dma_wait3A_67 = tpu.memref_slice %arg2[%dma_wait3A, %dma_wait3A_66] : memref<10000x128xf32, #tpu.memory_space<hbm>> -> memref<128x128xf32, #tpu.memory_space<hbm>>
        %dma_wait3A_68 = arith.constant 0 : i32
        %dma_wait3A_69 = arith.constant 0 : i32
        %dma_wait3A_70 = tpu.memref_slice %arg2[%dma_wait3A_68, %dma_wait3A_69] : memref<10000x128xf32, #tpu.memory_space<hbm>> -> memref<128x128xf32, #tpu.memory_space<hbm>>
        tpu.wait_dma2 semaphore(%arg12 : memref<!tpu.dma_semaphore, #tpu.memory_space<semaphore_mem>>) src(%dma_wait3A_70 : memref<128x128xf32, #tpu.memory_space<hbm>>) dst(%arg9 : memref<128x128xf32, #tpu.memory_space<vmem>>)
        "tpu.region"() ({
          %run_scoped3A = tpu.sem_alloc : memref<!tpu.dma_semaphore, #tpu.memory_space<semaphore_mem>>
          %dma_start3A_86 = arith.constant 0 : i32
          %dma_start3A_87 = tpu.memref_slice %arg8[%mul3A_57, %dma_start3A_86] : memref<40x128xi32, #tpu.memory_space<vmem>> -> memref<1x128xi32, #tpu.memory_space<vmem>>
          %dma_start3A_88 = tpu.memref_squeeze %dma_start3A_87 : memref<1x128xi32, #tpu.memory_space<vmem>> -> memref<128xi32, #tpu.memory_space<vmem>>
          %dma_start3A_89 = arith.constant 0 : i32
          %dma_start3A_90 = arith.constant 0 : i32
          %dma_start3A_91 = tpu.memref_slice %arg11[%dma_start3A_89, %dma_start3A_90] : memref<10240x128xf32, #tpu.memory_space<vmem_shared>> -> memref<10240x128xf32, #tpu.memory_space<vmem_shared>>
          tpu.enqueue_indirect_dma source(%arg9 : memref<128x128xf32, #tpu.memory_space<vmem>>) target(%dma_start3A_91 : memref<10240x128xf32, #tpu.memory_space<vmem_shared>>) offsets(%dma_start3A_88 : memref<128xi32, #tpu.memory_space<vmem>>) semaphore(%run_scoped3A : memref<!tpu.dma_semaphore, #tpu.memory_space<semaphore_mem>>) {add = true}
          %dma_wait3A_92 = arith.constant 0 : i32
          %dma_wait3A_93 = tpu.memref_slice %arg8[%mul3A_57, %dma_wait3A_92] : memref<40x128xi32, #tpu.memory_space<vmem>> -> memref<1x128xi32, #tpu.memory_space<vmem>>
          %dma_wait3A_94 = tpu.memref_squeeze %dma_wait3A_93 : memref<1x128xi32, #tpu.memory_space<vmem>> -> memref<128xi32, #tpu.memory_space<vmem>>
          %dma_wait3A_95 = arith.constant 0 : i32
          %dma_wait3A_96 = arith.constant 0 : i32
          %dma_wait3A_97 = tpu.memref_slice %arg11[%dma_wait3A_95, %dma_wait3A_96] : memref<10240x128xf32, #tpu.memory_space<vmem_shared>> -> memref<10240x128xf32, #tpu.memory_space<vmem_shared>>
          tpu.wait_indirect_dma semaphore(%run_scoped3A : memref<!tpu.dma_semaphore, #tpu.memory_space<semaphore_mem>>) src(%arg9 : memref<128x128xf32, #tpu.memory_space<vmem>>) dst(%dma_wait3A_97 : memref<10240x128xf32, #tpu.memory_space<vmem_shared>>)
          tpu.yield
        }) : () -> ()
        %add3A_71 = arith.constant 2 : i32
        %add3A_72 = arith.addi %mul3A_57, %add3A_71 : i32
        %lt3A = arith.constant 40 : i32
        %lt3A_73 = arith.cmpi slt, %add3A_72, %lt3A : i32
        %convert_element_type3A_74 = arith.extui %lt3A_73 : i1 to i32
        %cond3A_75 = arith.constant 0 : i32
        %cond3A_76 = arith.cmpi ne, %convert_element_type3A_74, %cond3A_75 : i32
        scf.if %cond3A_76 {
          %add3A_86 = arith.constant 2 : i32
          %add3A_87 = arith.addi %mul3A_57, %add3A_86 : i32
          %dma_start3A_88 = arith.constant 0 : i32
          %dma_start3A_89 = tpu.memref_slice %arg7[%add3A_87, %dma_start3A_88] : memref<40x128xi32, #tpu.memory_space<vmem>> -> memref<1x128xi32, #tpu.memory_space<vmem>>
          %dma_start3A_90 = tpu.memref_squeeze %dma_start3A_89 : memref<1x128xi32, #tpu.memory_space<vmem>> -> memref<128xi32, #tpu.memory_space<vmem>>
          %dma_start3A_91 = arith.constant 0 : i32
          %dma_start3A_92 = arith.constant 0 : i32
          %dma_start3A_93 = tpu.memref_slice %arg2[%dma_start3A_91, %dma_start3A_92] : memref<10000x128xf32, #tpu.memory_space<hbm>> -> memref<10000x128xf32, #tpu.memory_space<hbm>>
          tpu.enqueue_indirect_dma source(%dma_start3A_93 : memref<10000x128xf32, #tpu.memory_space<hbm>>) target(%arg9 : memref<128x128xf32, #tpu.memory_space<vmem>>) offsets(%dma_start3A_90 : memref<128xi32, #tpu.memory_space<vmem>>) semaphore(%arg12 : memref<!tpu.dma_semaphore, #tpu.memory_space<semaphore_mem>>)
        } else {
        }
        %dma_wait3A_77 = arith.constant 0 : i32
        %dma_wait3A_78 = arith.constant 0 : i32
        %dma_wait3A_79 = tpu.memref_slice %arg2[%dma_wait3A_77, %dma_wait3A_78] : memref<10000x128xf32, #tpu.memory_space<hbm>> -> memref<128x128xf32, #tpu.memory_space<hbm>>
        %dma_wait3A_80 = arith.constant 0 : i32
        %dma_wait3A_81 = arith.constant 0 : i32
        %dma_wait3A_82 = tpu.memref_slice %arg2[%dma_wait3A_80, %dma_wait3A_81] : memref<10000x128xf32, #tpu.memory_space<hbm>> -> memref<128x128xf32, #tpu.memory_space<hbm>>
        tpu.wait_dma2 semaphore(%arg13 : memref<!tpu.dma_semaphore, #tpu.memory_space<semaphore_mem>>) src(%dma_wait3A_82 : memref<128x128xf32, #tpu.memory_space<hbm>>) dst(%arg10 : memref<128x128xf32, #tpu.memory_space<vmem>>)
        %add3A_83 = arith.constant 1 : i32
        %add3A_84 = arith.addi %mul3A_57, %add3A_83 : i32
        "tpu.region"() ({
          %run_scoped3A = tpu.sem_alloc : memref<!tpu.dma_semaphore, #tpu.memory_space<semaphore_mem>>
          %dma_start3A_86 = arith.constant 0 : i32
          %dma_start3A_87 = tpu.memref_slice %arg8[%add3A_84, %dma_start3A_86] : memref<40x128xi32, #tpu.memory_space<vmem>> -> memref<1x128xi32, #tpu.memory_space<vmem>>
          %dma_start3A_88 = tpu.memref_squeeze %dma_start3A_87 : memref<1x128xi32, #tpu.memory_space<vmem>> -> memref<128xi32, #tpu.memory_space<vmem>>
          %dma_start3A_89 = arith.constant 0 : i32
          %dma_start3A_90 = arith.constant 0 : i32
          %dma_start3A_91 = tpu.memref_slice %arg11[%dma_start3A_89, %dma_start3A_90] : memref<10240x128xf32, #tpu.memory_space<vmem_shared>> -> memref<10240x128xf32, #tpu.memory_space<vmem_shared>>
          tpu.enqueue_indirect_dma source(%arg10 : memref<128x128xf32, #tpu.memory_space<vmem>>) target(%dma_start3A_91 : memref<10240x128xf32, #tpu.memory_space<vmem_shared>>) offsets(%dma_start3A_88 : memref<128xi32, #tpu.memory_space<vmem>>) semaphore(%run_scoped3A : memref<!tpu.dma_semaphore, #tpu.memory_space<semaphore_mem>>) {add = true}
          %dma_wait3A_92 = arith.constant 0 : i32
          %dma_wait3A_93 = tpu.memref_slice %arg8[%add3A_84, %dma_wait3A_92] : memref<40x128xi32, #tpu.memory_space<vmem>> -> memref<1x128xi32, #tpu.memory_space<vmem>>
          %dma_wait3A_94 = tpu.memref_squeeze %dma_wait3A_93 : memref<1x128xi32, #tpu.memory_space<vmem>> -> memref<128xi32, #tpu.memory_space<vmem>>
          %dma_wait3A_95 = arith.constant 0 : i32
          %dma_wait3A_96 = arith.constant 0 : i32
          %dma_wait3A_97 = tpu.memref_slice %arg11[%dma_wait3A_95, %dma_wait3A_96] : memref<10240x128xf32, #tpu.memory_space<vmem_shared>> -> memref<10240x128xf32, #tpu.memory_space<vmem_shared>>
          tpu.wait_indirect_dma semaphore(%run_scoped3A : memref<!tpu.dma_semaphore, #tpu.memory_space<semaphore_mem>>) src(%arg10 : memref<128x128xf32, #tpu.memory_space<vmem>>) dst(%dma_wait3A_97 : memref<10240x128xf32, #tpu.memory_space<vmem_shared>>)
          tpu.yield
        }) : () -> ()
        %scan3A_85 = arith.constant 0 : i32
        scf.yield %scan3A_85 : i32
      }
      %scan3A_53 = arith.constant 20 : i32
    } else {
    }
    %eq3A_3 = arith.constant 1 : i32
    %eq3A_4 = arith.cmpi eq, %arg0, %eq3A_3 : i32
    %convert_element_type3A_5 = arith.extui %eq3A_4 : i1 to i32
    %cond3A_6 = arith.constant 0 : i32
    %cond3A_7 = arith.cmpi ne, %convert_element_type3A_5, %cond3A_6 : i32
    scf.if %cond3A_7 {
      %mul3A_20 = arith.constant 80 : i32
      %mul3A_21 = arith.muli %arg1, %mul3A_20 : i32
      %add3A_22 = arith.constant 1280 : i32
      %add3A_23 = arith.addi %add3A_22, %mul3A_21 : i32
      %add3A_24 = arith.constant 0 : i32
      %add3A_25 = arith.addi %add3A_23, %add3A_24 : i32
      "tpu.region"() ({
        %run_scoped3A = tpu.sem_alloc : memref<!tpu.dma_semaphore, #tpu.memory_space<semaphore_mem>>
        %dma_start3A_58 = arith.constant 0 : i32
        %dma_start3A_59 = tpu.memref_slice %arg3[%add3A_25, %dma_start3A_58] : memref<2560x128xi32, #tpu.memory_space<hbm>> -> memref<40x128xi32, #tpu.memory_space<hbm>>
        %dma_start3A_60 = arith.constant 0 : i32
        %dma_start3A_61 = tpu.memref_slice %arg3[%add3A_25, %dma_start3A_60] : memref<2560x128xi32, #tpu.memory_space<hbm>> -> memref<40x128xi32, #tpu.memory_space<hbm>>
        tpu.enqueue_dma source(%dma_start3A_61 : memref<40x128xi32, #tpu.memory_space<hbm>>) target(%arg7 : memref<40x128xi32, #tpu.memory_space<vmem>>) target_semaphore(%run_scoped3A : memref<!tpu.dma_semaphore, #tpu.memory_space<semaphore_mem>>)
        %dma_wait3A = arith.constant 0 : i32
        %dma_wait3A_62 = tpu.memref_slice %arg3[%add3A_25, %dma_wait3A] : memref<2560x128xi32, #tpu.memory_space<hbm>> -> memref<40x128xi32, #tpu.memory_space<hbm>>
        %dma_wait3A_63 = arith.constant 0 : i32
        %dma_wait3A_64 = tpu.memref_slice %arg3[%add3A_25, %dma_wait3A_63] : memref<2560x128xi32, #tpu.memory_space<hbm>> -> memref<40x128xi32, #tpu.memory_space<hbm>>
        tpu.wait_dma2 semaphore(%run_scoped3A : memref<!tpu.dma_semaphore, #tpu.memory_space<semaphore_mem>>) src(%dma_wait3A_64 : memref<40x128xi32, #tpu.memory_space<hbm>>) dst(%arg7 : memref<40x128xi32, #tpu.memory_space<vmem>>)
        tpu.yield
      }) : () -> ()
      "tpu.region"() ({
        %run_scoped3A = tpu.sem_alloc : memref<!tpu.dma_semaphore, #tpu.memory_space<semaphore_mem>>
        %dma_start3A_58 = arith.constant 0 : i32
        %dma_start3A_59 = tpu.memref_slice %arg4[%add3A_25, %dma_start3A_58] : memref<2560x128xi32, #tpu.memory_space<hbm>> -> memref<40x128xi32, #tpu.memory_space<hbm>>
        %dma_start3A_60 = arith.constant 0 : i32
        %dma_start3A_61 = tpu.memref_slice %arg4[%add3A_25, %dma_start3A_60] : memref<2560x128xi32, #tpu.memory_space<hbm>> -> memref<40x128xi32, #tpu.memory_space<hbm>>
        tpu.enqueue_dma source(%dma_start3A_61 : memref<40x128xi32, #tpu.memory_space<hbm>>) target(%arg8 : memref<40x128xi32, #tpu.memory_space<vmem>>) target_semaphore(%run_scoped3A : memref<!tpu.dma_semaphore, #tpu.memory_space<semaphore_mem>>)
        %dma_wait3A = arith.constant 0 : i32
        %dma_wait3A_62 = tpu.memref_slice %arg4[%add3A_25, %dma_wait3A] : memref<2560x128xi32, #tpu.memory_space<hbm>> -> memref<40x128xi32, #tpu.memory_space<hbm>>
        %dma_wait3A_63 = arith.constant 0 : i32
        %dma_wait3A_64 = tpu.memref_slice %arg4[%add3A_25, %dma_wait3A_63] : memref<2560x128xi32, #tpu.memory_space<hbm>> -> memref<40x128xi32, #tpu.memory_space<hbm>>
        tpu.wait_dma2 semaphore(%run_scoped3A : memref<!tpu.dma_semaphore, #tpu.memory_space<semaphore_mem>>) src(%dma_wait3A_64 : memref<40x128xi32, #tpu.memory_space<hbm>>) dst(%arg8 : memref<40x128xi32, #tpu.memory_space<vmem>>)
        tpu.yield
      }) : () -> ()
      %dma_start3A = arith.constant 0 : i32
      %dma_start3A_26 = arith.constant 0 : i32
      %dma_start3A_27 = tpu.memref_slice %arg7[%dma_start3A, %dma_start3A_26] : memref<40x128xi32, #tpu.memory_space<vmem>> -> memref<1x128xi32, #tpu.memory_space<vmem>>
      %dma_start3A_28 = tpu.memref_squeeze %dma_start3A_27 : memref<1x128xi32, #tpu.memory_space<vmem>> -> memref<128xi32, #tpu.memory_space<vmem>>
      %dma_start3A_29 = arith.constant 0 : i32
      %dma_start3A_30 = arith.constant 0 : i32
      %dma_start3A_31 = tpu.memref_slice %arg2[%dma_start3A_29, %dma_start3A_30] : memref<10000x128xf32, #tpu.memory_space<hbm>> -> memref<10000x128xf32, #tpu.memory_space<hbm>>
      tpu.enqueue_indirect_dma source(%dma_start3A_31 : memref<10000x128xf32, #tpu.memory_space<hbm>>) target(%arg9 : memref<128x128xf32, #tpu.memory_space<vmem>>) offsets(%dma_start3A_28 : memref<128xi32, #tpu.memory_space<vmem>>) semaphore(%arg12 : memref<!tpu.dma_semaphore, #tpu.memory_space<semaphore_mem>>)
      %scan3A = arith.constant 0 : i32
      %scan3A_32 = arith.constant 0 : i32
      %scan3A_33 = arith.constant 20 : i32
      %scan3A_34 = arith.addi %scan3A_32, %scan3A_33 : i32
      %scan3A_35 = arith.constant 1 : i32
      %scan3A_36 = scf.for %scan3A_58 = %scan3A_32 to %scan3A_34 step %scan3A_35 iter_args(%scan3A_59 = %scan3A) -> (i32)  : i32 {
        %mul3A_60 = arith.constant 2 : i32
        %mul3A_61 = arith.muli %mul3A_60, %scan3A_58 : i32
        %add3A_62 = arith.constant 1 : i32
        %add3A_63 = arith.addi %mul3A_61, %add3A_62 : i32
        %dma_start3A_64 = arith.constant 0 : i32
        %dma_start3A_65 = tpu.memref_slice %arg7[%add3A_63, %dma_start3A_64] : memref<40x128xi32, #tpu.memory_space<vmem>> -> memref<1x128xi32, #tpu.memory_space<vmem>>
        %dma_start3A_66 = tpu.memref_squeeze %dma_start3A_65 : memref<1x128xi32, #tpu.memory_space<vmem>> -> memref<128xi32, #tpu.memory_space<vmem>>
        %dma_start3A_67 = arith.constant 0 : i32
        %dma_start3A_68 = arith.constant 0 : i32
        %dma_start3A_69 = tpu.memref_slice %arg2[%dma_start3A_67, %dma_start3A_68] : memref<10000x128xf32, #tpu.memory_space<hbm>> -> memref<10000x128xf32, #tpu.memory_space<hbm>>
        tpu.enqueue_indirect_dma source(%dma_start3A_69 : memref<10000x128xf32, #tpu.memory_space<hbm>>) target(%arg10 : memref<128x128xf32, #tpu.memory_space<vmem>>) offsets(%dma_start3A_66 : memref<128xi32, #tpu.memory_space<vmem>>) semaphore(%arg13 : memref<!tpu.dma_semaphore, #tpu.memory_space<semaphore_mem>>)
        %dma_wait3A = arith.constant 0 : i32
        %dma_wait3A_70 = arith.constant 0 : i32
        %dma_wait3A_71 = tpu.memref_slice %arg2[%dma_wait3A, %dma_wait3A_70] : memref<10000x128xf32, #tpu.memory_space<hbm>> -> memref<128x128xf32, #tpu.memory_space<hbm>>
        %dma_wait3A_72 = arith.constant 0 : i32
        %dma_wait3A_73 = arith.constant 0 : i32
        %dma_wait3A_74 = tpu.memref_slice %arg2[%dma_wait3A_72, %dma_wait3A_73] : memref<10000x128xf32, #tpu.memory_space<hbm>> -> memref<128x128xf32, #tpu.memory_space<hbm>>
        tpu.wait_dma2 semaphore(%arg12 : memref<!tpu.dma_semaphore, #tpu.memory_space<semaphore_mem>>) src(%dma_wait3A_74 : memref<128x128xf32, #tpu.memory_space<hbm>>) dst(%arg9 : memref<128x128xf32, #tpu.memory_space<vmem>>)
        "tpu.region"() ({
          %run_scoped3A = tpu.sem_alloc : memref<!tpu.dma_semaphore, #tpu.memory_space<semaphore_mem>>
          %dma_start3A_90 = arith.constant 0 : i32
          %dma_start3A_91 = tpu.memref_slice %arg8[%mul3A_61, %dma_start3A_90] : memref<40x128xi32, #tpu.memory_space<vmem>> -> memref<1x128xi32, #tpu.memory_space<vmem>>
          %dma_start3A_92 = tpu.memref_squeeze %dma_start3A_91 : memref<1x128xi32, #tpu.memory_space<vmem>> -> memref<128xi32, #tpu.memory_space<vmem>>
          %dma_start3A_93 = arith.constant 0 : i32
          %dma_start3A_94 = arith.constant 0 : i32
          %dma_start3A_95 = tpu.memref_slice %arg11[%dma_start3A_93, %dma_start3A_94] : memref<10240x128xf32, #tpu.memory_space<vmem_shared>> -> memref<10240x128xf32, #tpu.memory_space<vmem_shared>>
          tpu.enqueue_indirect_dma source(%arg9 : memref<128x128xf32, #tpu.memory_space<vmem>>) target(%dma_start3A_95 : memref<10240x128xf32, #tpu.memory_space<vmem_shared>>) offsets(%dma_start3A_92 : memref<128xi32, #tpu.memory_space<vmem>>) semaphore(%run_scoped3A : memref<!tpu.dma_semaphore, #tpu.memory_space<semaphore_mem>>) {add = true}
          %dma_wait3A_96 = arith.constant 0 : i32
          %dma_wait3A_97 = tpu.memref_slice %arg8[%mul3A_61, %dma_wait3A_96] : memref<40x128xi32, #tpu.memory_space<vmem>> -> memref<1x128xi32, #tpu.memory_space<vmem>>
          %dma_wait3A_98 = tpu.memref_squeeze %dma_wait3A_97 : memref<1x128xi32, #tpu.memory_space<vmem>> -> memref<128xi32, #tpu.memory_space<vmem>>
          %dma_wait3A_99 = arith.constant 0 : i32
          %dma_wait3A_100 = arith.constant 0 : i32
          %dma_wait3A_101 = tpu.memref_slice %arg11[%dma_wait3A_99, %dma_wait3A_100] : memref<10240x128xf32, #tpu.memory_space<vmem_shared>> -> memref<10240x128xf32, #tpu.memory_space<vmem_shared>>
          tpu.wait_indirect_dma semaphore(%run_scoped3A : memref<!tpu.dma_semaphore, #tpu.memory_space<semaphore_mem>>) src(%arg9 : memref<128x128xf32, #tpu.memory_space<vmem>>) dst(%dma_wait3A_101 : memref<10240x128xf32, #tpu.memory_space<vmem_shared>>)
          tpu.yield
        }) : () -> ()
        %add3A_75 = arith.constant 2 : i32
        %add3A_76 = arith.addi %mul3A_61, %add3A_75 : i32
        %lt3A = arith.constant 40 : i32
        %lt3A_77 = arith.cmpi slt, %add3A_76, %lt3A : i32
        %convert_element_type3A_78 = arith.extui %lt3A_77 : i1 to i32
        %cond3A_79 = arith.constant 0 : i32
        %cond3A_80 = arith.cmpi ne, %convert_element_type3A_78, %cond3A_79 : i32
        scf.if %cond3A_80 {
          %add3A_90 = arith.constant 2 : i32
          %add3A_91 = arith.addi %mul3A_61, %add3A_90 : i32
          %dma_start3A_92 = arith.constant 0 : i32
          %dma_start3A_93 = tpu.memref_slice %arg7[%add3A_91, %dma_start3A_92] : memref<40x128xi32, #tpu.memory_space<vmem>> -> memref<1x128xi32, #tpu.memory_space<vmem>>
          %dma_start3A_94 = tpu.memref_squeeze %dma_start3A_93 : memref<1x128xi32, #tpu.memory_space<vmem>> -> memref<128xi32, #tpu.memory_space<vmem>>
          %dma_start3A_95 = arith.constant 0 : i32
          %dma_start3A_96 = arith.constant 0 : i32
          %dma_start3A_97 = tpu.memref_slice %arg2[%dma_start3A_95, %dma_start3A_96] : memref<10000x128xf32, #tpu.memory_space<hbm>> -> memref<10000x128xf32, #tpu.memory_space<hbm>>
          tpu.enqueue_indirect_dma source(%dma_start3A_97 : memref<10000x128xf32, #tpu.memory_space<hbm>>) target(%arg9 : memref<128x128xf32, #tpu.memory_space<vmem>>) offsets(%dma_start3A_94 : memref<128xi32, #tpu.memory_space<vmem>>) semaphore(%arg12 : memref<!tpu.dma_semaphore, #tpu.memory_space<semaphore_mem>>)
        } else {
        }
        %dma_wait3A_81 = arith.constant 0 : i32
        %dma_wait3A_82 = arith.constant 0 : i32
        %dma_wait3A_83 = tpu.memref_slice %arg2[%dma_wait3A_81, %dma_wait3A_82] : memref<10000x128xf32, #tpu.memory_space<hbm>> -> memref<128x128xf32, #tpu.memory_space<hbm>>
        %dma_wait3A_84 = arith.constant 0 : i32
        %dma_wait3A_85 = arith.constant 0 : i32
        %dma_wait3A_86 = tpu.memref_slice %arg2[%dma_wait3A_84, %dma_wait3A_85] : memref<10000x128xf32, #tpu.memory_space<hbm>> -> memref<128x128xf32, #tpu.memory_space<hbm>>
        tpu.wait_dma2 semaphore(%arg13 : memref<!tpu.dma_semaphore, #tpu.memory_space<semaphore_mem>>) src(%dma_wait3A_86 : memref<128x128xf32, #tpu.memory_space<hbm>>) dst(%arg10 : memref<128x128xf32, #tpu.memory_space<vmem>>)
        %add3A_87 = arith.constant 1 : i32
        %add3A_88 = arith.addi %mul3A_61, %add3A_87 : i32
        "tpu.region"() ({
          %run_scoped3A = tpu.sem_alloc : memref<!tpu.dma_semaphore, #tpu.memory_space<semaphore_mem>>
          %dma_start3A_90 = arith.constant 0 : i32
          %dma_start3A_91 = tpu.memref_slice %arg8[%add3A_88, %dma_start3A_90] : memref<40x128xi32, #tpu.memory_space<vmem>> -> memref<1x128xi32, #tpu.memory_space<vmem>>
          %dma_start3A_92 = tpu.memref_squeeze %dma_start3A_91 : memref<1x128xi32, #tpu.memory_space<vmem>> -> memref<128xi32, #tpu.memory_space<vmem>>
          %dma_start3A_93 = arith.constant 0 : i32
          %dma_start3A_94 = arith.constant 0 : i32
          %dma_start3A_95 = tpu.memref_slice %arg11[%dma_start3A_93, %dma_start3A_94] : memref<10240x128xf32, #tpu.memory_space<vmem_shared>> -> memref<10240x128xf32, #tpu.memory_space<vmem_shared>>
          tpu.enqueue_indirect_dma source(%arg10 : memref<128x128xf32, #tpu.memory_space<vmem>>) target(%dma_start3A_95 : memref<10240x128xf32, #tpu.memory_space<vmem_shared>>) offsets(%dma_start3A_92 : memref<128xi32, #tpu.memory_space<vmem>>) semaphore(%run_scoped3A : memref<!tpu.dma_semaphore, #tpu.memory_space<semaphore_mem>>) {add = true}
          %dma_wait3A_96 = arith.constant 0 : i32
          %dma_wait3A_97 = tpu.memref_slice %arg8[%add3A_88, %dma_wait3A_96] : memref<40x128xi32, #tpu.memory_space<vmem>> -> memref<1x128xi32, #tpu.memory_space<vmem>>
          %dma_wait3A_98 = tpu.memref_squeeze %dma_wait3A_97 : memref<1x128xi32, #tpu.memory_space<vmem>> -> memref<128xi32, #tpu.memory_space<vmem>>
          %dma_wait3A_99 = arith.constant 0 : i32
          %dma_wait3A_100 = arith.constant 0 : i32
          %dma_wait3A_101 = tpu.memref_slice %arg11[%dma_wait3A_99, %dma_wait3A_100] : memref<10240x128xf32, #tpu.memory_space<vmem_shared>> -> memref<10240x128xf32, #tpu.memory_space<vmem_shared>>
          tpu.wait_indirect_dma semaphore(%run_scoped3A : memref<!tpu.dma_semaphore, #tpu.memory_space<semaphore_mem>>) src(%arg10 : memref<128x128xf32, #tpu.memory_space<vmem>>) dst(%dma_wait3A_101 : memref<10240x128xf32, #tpu.memory_space<vmem_shared>>)
          tpu.yield
        }) : () -> ()
        %scan3A_89 = arith.constant 0 : i32
        scf.yield %scan3A_89 : i32
      }
      %scan3A_37 = arith.constant 20 : i32
      %mul3A_38 = arith.constant 80 : i32
      %mul3A_39 = arith.muli %arg1, %mul3A_38 : i32
      %add3A_40 = arith.constant 1280 : i32
      %add3A_41 = arith.addi %add3A_40, %mul3A_39 : i32
      %add3A_42 = arith.constant 40 : i32
      %add3A_43 = arith.addi %add3A_41, %add3A_42 : i32
      "tpu.region"() ({
        %run_scoped3A = tpu.sem_alloc : memref<!tpu.dma_semaphore, #tpu.memory_space<semaphore_mem>>
        %dma_start3A_58 = arith.constant 0 : i32
        %dma_start3A_59 = tpu.memref_slice %arg3[%add3A_43, %dma_start3A_58] : memref<2560x128xi32, #tpu.memory_space<hbm>> -> memref<40x128xi32, #tpu.memory_space<hbm>>
        %dma_start3A_60 = arith.constant 0 : i32
        %dma_start3A_61 = tpu.memref_slice %arg3[%add3A_43, %dma_start3A_60] : memref<2560x128xi32, #tpu.memory_space<hbm>> -> memref<40x128xi32, #tpu.memory_space<hbm>>
        tpu.enqueue_dma source(%dma_start3A_61 : memref<40x128xi32, #tpu.memory_space<hbm>>) target(%arg7 : memref<40x128xi32, #tpu.memory_space<vmem>>) target_semaphore(%run_scoped3A : memref<!tpu.dma_semaphore, #tpu.memory_space<semaphore_mem>>)
        %dma_wait3A = arith.constant 0 : i32
        %dma_wait3A_62 = tpu.memref_slice %arg3[%add3A_43, %dma_wait3A] : memref<2560x128xi32, #tpu.memory_space<hbm>> -> memref<40x128xi32, #tpu.memory_space<hbm>>
        %dma_wait3A_63 = arith.constant 0 : i32
        %dma_wait3A_64 = tpu.memref_slice %arg3[%add3A_43, %dma_wait3A_63] : memref<2560x128xi32, #tpu.memory_space<hbm>> -> memref<40x128xi32, #tpu.memory_space<hbm>>
        tpu.wait_dma2 semaphore(%run_scoped3A : memref<!tpu.dma_semaphore, #tpu.memory_space<semaphore_mem>>) src(%dma_wait3A_64 : memref<40x128xi32, #tpu.memory_space<hbm>>) dst(%arg7 : memref<40x128xi32, #tpu.memory_space<vmem>>)
        tpu.yield
      }) : () -> ()
      "tpu.region"() ({
        %run_scoped3A = tpu.sem_alloc : memref<!tpu.dma_semaphore, #tpu.memory_space<semaphore_mem>>
        %dma_start3A_58 = arith.constant 0 : i32
        %dma_start3A_59 = tpu.memref_slice %arg4[%add3A_43, %dma_start3A_58] : memref<2560x128xi32, #tpu.memory_space<hbm>> -> memref<40x128xi32, #tpu.memory_space<hbm>>
        %dma_start3A_60 = arith.constant 0 : i32
        %dma_start3A_61 = tpu.memref_slice %arg4[%add3A_43, %dma_start3A_60] : memref<2560x128xi32, #tpu.memory_space<hbm>> -> memref<40x128xi32, #tpu.memory_space<hbm>>
        tpu.enqueue_dma source(%dma_start3A_61 : memref<40x128xi32, #tpu.memory_space<hbm>>) target(%arg8 : memref<40x128xi32, #tpu.memory_space<vmem>>) target_semaphore(%run_scoped3A : memref<!tpu.dma_semaphore, #tpu.memory_space<semaphore_mem>>)
        %dma_wait3A = arith.constant 0 : i32
        %dma_wait3A_62 = tpu.memref_slice %arg4[%add3A_43, %dma_wait3A] : memref<2560x128xi32, #tpu.memory_space<hbm>> -> memref<40x128xi32, #tpu.memory_space<hbm>>
        %dma_wait3A_63 = arith.constant 0 : i32
        %dma_wait3A_64 = tpu.memref_slice %arg4[%add3A_43, %dma_wait3A_63] : memref<2560x128xi32, #tpu.memory_space<hbm>> -> memref<40x128xi32, #tpu.memory_space<hbm>>
        tpu.wait_dma2 semaphore(%run_scoped3A : memref<!tpu.dma_semaphore, #tpu.memory_space<semaphore_mem>>) src(%dma_wait3A_64 : memref<40x128xi32, #tpu.memory_space<hbm>>) dst(%arg8 : memref<40x128xi32, #tpu.memory_space<vmem>>)
        tpu.yield
      }) : () -> ()
      %dma_start3A_44 = arith.constant 0 : i32
      %dma_start3A_45 = arith.constant 0 : i32
      %dma_start3A_46 = tpu.memref_slice %arg7[%dma_start3A_44, %dma_start3A_45] : memref<40x128xi32, #tpu.memory_space<vmem>> -> memref<1x128xi32, #tpu.memory_space<vmem>>
      %dma_start3A_47 = tpu.memref_squeeze %dma_start3A_46 : memref<1x128xi32, #tpu.memory_space<vmem>> -> memref<128xi32, #tpu.memory_space<vmem>>
      %dma_start3A_48 = arith.constant 0 : i32
      %dma_start3A_49 = arith.constant 0 : i32
      %dma_start3A_50 = tpu.memref_slice %arg2[%dma_start3A_48, %dma_start3A_49] : memref<10000x128xf32, #tpu.memory_space<hbm>> -> memref<10000x128xf32, #tpu.memory_space<hbm>>
      tpu.enqueue_indirect_dma source(%dma_start3A_50 : memref<10000x128xf32, #tpu.memory_space<hbm>>) target(%arg9 : memref<128x128xf32, #tpu.memory_space<vmem>>) offsets(%dma_start3A_47 : memref<128xi32, #tpu.memory_space<vmem>>) semaphore(%arg12 : memref<!tpu.dma_semaphore, #tpu.memory_space<semaphore_mem>>)
      %scan3A_51 = arith.constant 0 : i32
      %scan3A_52 = arith.constant 0 : i32
      %scan3A_53 = arith.constant 20 : i32
      %scan3A_54 = arith.addi %scan3A_52, %scan3A_53 : i32
      %scan3A_55 = arith.constant 1 : i32
      %scan3A_56 = scf.for %scan3A_58 = %scan3A_52 to %scan3A_54 step %scan3A_55 iter_args(%scan3A_59 = %scan3A_51) -> (i32)  : i32 {
        %mul3A_60 = arith.constant 2 : i32
        %mul3A_61 = arith.muli %mul3A_60, %scan3A_58 : i32
        %add3A_62 = arith.constant 1 : i32
        %add3A_63 = arith.addi %mul3A_61, %add3A_62 : i32
        %dma_start3A_64 = arith.constant 0 : i32
        %dma_start3A_65 = tpu.memref_slice %arg7[%add3A_63, %dma_start3A_64] : memref<40x128xi32, #tpu.memory_space<vmem>> -> memref<1x128xi32, #tpu.memory_space<vmem>>
        %dma_start3A_66 = tpu.memref_squeeze %dma_start3A_65 : memref<1x128xi32, #tpu.memory_space<vmem>> -> memref<128xi32, #tpu.memory_space<vmem>>
        %dma_start3A_67 = arith.constant 0 : i32
        %dma_start3A_68 = arith.constant 0 : i32
        %dma_start3A_69 = tpu.memref_slice %arg2[%dma_start3A_67, %dma_start3A_68] : memref<10000x128xf32, #tpu.memory_space<hbm>> -> memref<10000x128xf32, #tpu.memory_space<hbm>>
        tpu.enqueue_indirect_dma source(%dma_start3A_69 : memref<10000x128xf32, #tpu.memory_space<hbm>>) target(%arg10 : memref<128x128xf32, #tpu.memory_space<vmem>>) offsets(%dma_start3A_66 : memref<128xi32, #tpu.memory_space<vmem>>) semaphore(%arg13 : memref<!tpu.dma_semaphore, #tpu.memory_space<semaphore_mem>>)
        %dma_wait3A = arith.constant 0 : i32
        %dma_wait3A_70 = arith.constant 0 : i32
        %dma_wait3A_71 = tpu.memref_slice %arg2[%dma_wait3A, %dma_wait3A_70] : memref<10000x128xf32, #tpu.memory_space<hbm>> -> memref<128x128xf32, #tpu.memory_space<hbm>>
        %dma_wait3A_72 = arith.constant 0 : i32
        %dma_wait3A_73 = arith.constant 0 : i32
        %dma_wait3A_74 = tpu.memref_slice %arg2[%dma_wait3A_72, %dma_wait3A_73] : memref<10000x128xf32, #tpu.memory_space<hbm>> -> memref<128x128xf32, #tpu.memory_space<hbm>>
        tpu.wait_dma2 semaphore(%arg12 : memref<!tpu.dma_semaphore, #tpu.memory_space<semaphore_mem>>) src(%dma_wait3A_74 : memref<128x128xf32, #tpu.memory_space<hbm>>) dst(%arg9 : memref<128x128xf32, #tpu.memory_space<vmem>>)
        "tpu.region"() ({
          %run_scoped3A = tpu.sem_alloc : memref<!tpu.dma_semaphore, #tpu.memory_space<semaphore_mem>>
          %dma_start3A_90 = arith.constant 0 : i32
          %dma_start3A_91 = tpu.memref_slice %arg8[%mul3A_61, %dma_start3A_90] : memref<40x128xi32, #tpu.memory_space<vmem>> -> memref<1x128xi32, #tpu.memory_space<vmem>>
          %dma_start3A_92 = tpu.memref_squeeze %dma_start3A_91 : memref<1x128xi32, #tpu.memory_space<vmem>> -> memref<128xi32, #tpu.memory_space<vmem>>
          %dma_start3A_93 = arith.constant 0 : i32
          %dma_start3A_94 = arith.constant 0 : i32
          %dma_start3A_95 = tpu.memref_slice %arg11[%dma_start3A_93, %dma_start3A_94] : memref<10240x128xf32, #tpu.memory_space<vmem_shared>> -> memref<10240x128xf32, #tpu.memory_space<vmem_shared>>
          tpu.enqueue_indirect_dma source(%arg9 : memref<128x128xf32, #tpu.memory_space<vmem>>) target(%dma_start3A_95 : memref<10240x128xf32, #tpu.memory_space<vmem_shared>>) offsets(%dma_start3A_92 : memref<128xi32, #tpu.memory_space<vmem>>) semaphore(%run_scoped3A : memref<!tpu.dma_semaphore, #tpu.memory_space<semaphore_mem>>) {add = true}
          %dma_wait3A_96 = arith.constant 0 : i32
          %dma_wait3A_97 = tpu.memref_slice %arg8[%mul3A_61, %dma_wait3A_96] : memref<40x128xi32, #tpu.memory_space<vmem>> -> memref<1x128xi32, #tpu.memory_space<vmem>>
          %dma_wait3A_98 = tpu.memref_squeeze %dma_wait3A_97 : memref<1x128xi32, #tpu.memory_space<vmem>> -> memref<128xi32, #tpu.memory_space<vmem>>
          %dma_wait3A_99 = arith.constant 0 : i32
          %dma_wait3A_100 = arith.constant 0 : i32
          %dma_wait3A_101 = tpu.memref_slice %arg11[%dma_wait3A_99, %dma_wait3A_100] : memref<10240x128xf32, #tpu.memory_space<vmem_shared>> -> memref<10240x128xf32, #tpu.memory_space<vmem_shared>>
          tpu.wait_indirect_dma semaphore(%run_scoped3A : memref<!tpu.dma_semaphore, #tpu.memory_space<semaphore_mem>>) src(%arg9 : memref<128x128xf32, #tpu.memory_space<vmem>>) dst(%dma_wait3A_101 : memref<10240x128xf32, #tpu.memory_space<vmem_shared>>)
          tpu.yield
        }) : () -> ()
        %add3A_75 = arith.constant 2 : i32
        %add3A_76 = arith.addi %mul3A_61, %add3A_75 : i32
        %lt3A = arith.constant 40 : i32
        %lt3A_77 = arith.cmpi slt, %add3A_76, %lt3A : i32
        %convert_element_type3A_78 = arith.extui %lt3A_77 : i1 to i32
        %cond3A_79 = arith.constant 0 : i32
        %cond3A_80 = arith.cmpi ne, %convert_element_type3A_78, %cond3A_79 : i32
        scf.if %cond3A_80 {
          %add3A_90 = arith.constant 2 : i32
          %add3A_91 = arith.addi %mul3A_61, %add3A_90 : i32
          %dma_start3A_92 = arith.constant 0 : i32
          %dma_start3A_93 = tpu.memref_slice %arg7[%add3A_91, %dma_start3A_92] : memref<40x128xi32, #tpu.memory_space<vmem>> -> memref<1x128xi32, #tpu.memory_space<vmem>>
          %dma_start3A_94 = tpu.memref_squeeze %dma_start3A_93 : memref<1x128xi32, #tpu.memory_space<vmem>> -> memref<128xi32, #tpu.memory_space<vmem>>
          %dma_start3A_95 = arith.constant 0 : i32
          %dma_start3A_96 = arith.constant 0 : i32
          %dma_start3A_97 = tpu.memref_slice %arg2[%dma_start3A_95, %dma_start3A_96] : memref<10000x128xf32, #tpu.memory_space<hbm>> -> memref<10000x128xf32, #tpu.memory_space<hbm>>
          tpu.enqueue_indirect_dma source(%dma_start3A_97 : memref<10000x128xf32, #tpu.memory_space<hbm>>) target(%arg9 : memref<128x128xf32, #tpu.memory_space<vmem>>) offsets(%dma_start3A_94 : memref<128xi32, #tpu.memory_space<vmem>>) semaphore(%arg12 : memref<!tpu.dma_semaphore, #tpu.memory_space<semaphore_mem>>)
        } else {
        }
        %dma_wait3A_81 = arith.constant 0 : i32
        %dma_wait3A_82 = arith.constant 0 : i32
        %dma_wait3A_83 = tpu.memref_slice %arg2[%dma_wait3A_81, %dma_wait3A_82] : memref<10000x128xf32, #tpu.memory_space<hbm>> -> memref<128x128xf32, #tpu.memory_space<hbm>>
        %dma_wait3A_84 = arith.constant 0 : i32
        %dma_wait3A_85 = arith.constant 0 : i32
        %dma_wait3A_86 = tpu.memref_slice %arg2[%dma_wait3A_84, %dma_wait3A_85] : memref<10000x128xf32, #tpu.memory_space<hbm>> -> memref<128x128xf32, #tpu.memory_space<hbm>>
        tpu.wait_dma2 semaphore(%arg13 : memref<!tpu.dma_semaphore, #tpu.memory_space<semaphore_mem>>) src(%dma_wait3A_86 : memref<128x128xf32, #tpu.memory_space<hbm>>) dst(%arg10 : memref<128x128xf32, #tpu.memory_space<vmem>>)
        %add3A_87 = arith.constant 1 : i32
        %add3A_88 = arith.addi %mul3A_61, %add3A_87 : i32
        "tpu.region"() ({
          %run_scoped3A = tpu.sem_alloc : memref<!tpu.dma_semaphore, #tpu.memory_space<semaphore_mem>>
          %dma_start3A_90 = arith.constant 0 : i32
          %dma_start3A_91 = tpu.memref_slice %arg8[%add3A_88, %dma_start3A_90] : memref<40x128xi32, #tpu.memory_space<vmem>> -> memref<1x128xi32, #tpu.memory_space<vmem>>
          %dma_start3A_92 = tpu.memref_squeeze %dma_start3A_91 : memref<1x128xi32, #tpu.memory_space<vmem>> -> memref<128xi32, #tpu.memory_space<vmem>>
          %dma_start3A_93 = arith.constant 0 : i32
          %dma_start3A_94 = arith.constant 0 : i32
          %dma_start3A_95 = tpu.memref_slice %arg11[%dma_start3A_93, %dma_start3A_94] : memref<10240x128xf32, #tpu.memory_space<vmem_shared>> -> memref<10240x128xf32, #tpu.memory_space<vmem_shared>>
          tpu.enqueue_indirect_dma source(%arg10 : memref<128x128xf32, #tpu.memory_space<vmem>>) target(%dma_start3A_95 : memref<10240x128xf32, #tpu.memory_space<vmem_shared>>) offsets(%dma_start3A_92 : memref<128xi32, #tpu.memory_space<vmem>>) semaphore(%run_scoped3A : memref<!tpu.dma_semaphore, #tpu.memory_space<semaphore_mem>>) {add = true}
          %dma_wait3A_96 = arith.constant 0 : i32
          %dma_wait3A_97 = tpu.memref_slice %arg8[%add3A_88, %dma_wait3A_96] : memref<40x128xi32, #tpu.memory_space<vmem>> -> memref<1x128xi32, #tpu.memory_space<vmem>>
          %dma_wait3A_98 = tpu.memref_squeeze %dma_wait3A_97 : memref<1x128xi32, #tpu.memory_space<vmem>> -> memref<128xi32, #tpu.memory_space<vmem>>
          %dma_wait3A_99 = arith.constant 0 : i32
          %dma_wait3A_100 = arith.constant 0 : i32
          %dma_wait3A_101 = tpu.memref_slice %arg11[%dma_wait3A_99, %dma_wait3A_100] : memref<10240x128xf32, #tpu.memory_space<vmem_shared>> -> memref<10240x128xf32, #tpu.memory_space<vmem_shared>>
          tpu.wait_indirect_dma semaphore(%run_scoped3A : memref<!tpu.dma_semaphore, #tpu.memory_space<semaphore_mem>>) src(%arg10 : memref<128x128xf32, #tpu.memory_space<vmem>>) dst(%dma_wait3A_101 : memref<10240x128xf32, #tpu.memory_space<vmem_shared>>)
          tpu.yield
        }) : () -> ()
        %scan3A_89 = arith.constant 0 : i32
        scf.yield %scan3A_89 : i32
      }
      %scan3A_57 = arith.constant 20 : i32
    } else {
    }
    %barrier3A_8 = arith.constant 0 : index
    tpu.barrier barrier_id(%barrier3A_8)
    %mul3A_9 = arith.constant 624 : i32
    %mul3A_10 = arith.muli %arg1, %mul3A_9 : i32
    %mul3A_11 = arith.constant 10000 : i32
    %mul3A_12 = arith.muli %arg0, %mul3A_11 : i32
    %mul3A_13 = arith.constant 624 : i32
    %mul3A_14 = arith.muli %arg1, %mul3A_13 : i32
    %add3A = arith.addi %mul3A_12, %mul3A_14 : i32
    "tpu.region"() ({
      %run_scoped3A = tpu.sem_alloc : memref<!tpu.dma_semaphore, #tpu.memory_space<semaphore_mem>>
      %dma_start3A = arith.constant 0 : i32
      %dma_start3A_20 = tpu.memref_slice %arg6[%add3A, %dma_start3A] : memref<20000x128xf32, #tpu.memory_space<hbm>> -> memref<624x128xf32, #tpu.memory_space<hbm>>
      %dma_start3A_21 = arith.constant 0 : i32
      %dma_start3A_22 = tpu.memref_slice %arg11[%mul3A_10, %dma_start3A_21] : memref<10240x128xf32, #tpu.memory_space<vmem_shared>> -> memref<624x128xf32, #tpu.memory_space<vmem_shared>>
      tpu.enqueue_dma source(%dma_start3A_22 : memref<624x128xf32, #tpu.memory_space<vmem_shared>>) target(%dma_start3A_20 : memref<624x128xf32, #tpu.memory_space<hbm>>) target_semaphore(%run_scoped3A : memref<!tpu.dma_semaphore, #tpu.memory_space<semaphore_mem>>)
      %dma_wait3A = arith.constant 0 : i32
      %dma_wait3A_23 = tpu.memref_slice %arg6[%add3A, %dma_wait3A] : memref<20000x128xf32, #tpu.memory_space<hbm>> -> memref<624x128xf32, #tpu.memory_space<hbm>>
      %dma_wait3A_24 = arith.constant 0 : i32
      %dma_wait3A_25 = tpu.memref_slice %arg11[%mul3A_10, %dma_wait3A_24] : memref<10240x128xf32, #tpu.memory_space<vmem_shared>> -> memref<624x128xf32, #tpu.memory_space<vmem_shared>>
      tpu.wait_dma2 semaphore(%run_scoped3A : memref<!tpu.dma_semaphore, #tpu.memory_space<semaphore_mem>>) src(%dma_wait3A_25 : memref<624x128xf32, #tpu.memory_space<vmem_shared>>) dst(%dma_wait3A_23 : memref<624x128xf32, #tpu.memory_space<hbm>>)
      tpu.yield
    }) : () -> ()
    %eq3A_15 = arith.constant 15 : i32
    %eq3A_16 = arith.cmpi eq, %arg1, %eq3A_15 : i32
    %convert_element_type3A_17 = arith.extui %eq3A_16 : i1 to i32
    %cond3A_18 = arith.constant 0 : i32
    %cond3A_19 = arith.cmpi ne, %convert_element_type3A_17, %cond3A_18 : i32
    scf.if %cond3A_19 {
      %mul3A_20 = arith.constant 10000 : i32
      %mul3A_21 = arith.muli %arg0, %mul3A_20 : i32
      %add3A_22 = arith.constant 9984 : i32
      %add3A_23 = arith.addi %mul3A_21, %add3A_22 : i32
      "tpu.region"() ({
        %run_scoped3A = tpu.sem_alloc : memref<!tpu.dma_semaphore, #tpu.memory_space<semaphore_mem>>
        %dma_start3A = arith.constant 0 : i32
        %dma_start3A_24 = tpu.memref_slice %arg6[%add3A_23, %dma_start3A] : memref<20000x128xf32, #tpu.memory_space<hbm>> -> memref<16x128xf32, #tpu.memory_space<hbm>>
        %dma_start3A_25 = arith.constant 9984 : i32
        %dma_start3A_26 = arith.constant 0 : i32
        %dma_start3A_27 = tpu.memref_slice %arg11[%dma_start3A_25, %dma_start3A_26] : memref<10240x128xf32, #tpu.memory_space<vmem_shared>> -> memref<16x128xf32, #tpu.memory_space<vmem_shared>>
        tpu.enqueue_dma source(%dma_start3A_27 : memref<16x128xf32, #tpu.memory_space<vmem_shared>>) target(%dma_start3A_24 : memref<16x128xf32, #tpu.memory_space<hbm>>) target_semaphore(%run_scoped3A : memref<!tpu.dma_semaphore, #tpu.memory_space<semaphore_mem>>)
        %dma_wait3A = arith.constant 0 : i32
        %dma_wait3A_28 = tpu.memref_slice %arg6[%add3A_23, %dma_wait3A] : memref<20000x128xf32, #tpu.memory_space<hbm>> -> memref<16x128xf32, #tpu.memory_space<hbm>>
        %dma_wait3A_29 = arith.constant 9984 : i32
        %dma_wait3A_30 = arith.constant 0 : i32
        %dma_wait3A_31 = tpu.memref_slice %arg11[%dma_wait3A_29, %dma_wait3A_30] : memref<10240x128xf32, #tpu.memory_space<vmem_shared>> -> memref<16x128xf32, #tpu.memory_space<vmem_shared>>
        tpu.wait_dma2 semaphore(%run_scoped3A : memref<!tpu.dma_semaphore, #tpu.memory_space<semaphore_mem>>) src(%dma_wait3A_31 : memref<16x128xf32, #tpu.memory_space<vmem_shared>>) dst(%dma_wait3A_28 : memref<16x128xf32, #tpu.memory_space<hbm>>)
        tpu.yield
      }) : () -> ()
    } else {
    }
    return
  }
}

#map = affine_map<(d0, d1) -> (0, 0)>
#map1 = affine_map<(d0, d1) -> (0, 0, 0)>
module attributes {stable_mosaic.version = 14 : i64} {
  func.func @_bgather_kernel(%arg0: i32, %arg1: i32, %arg2: memref<10000x128xf32, #tpu.memory_space<hbm>>, %arg3: memref<32x3x128xi32, #tpu.memory_space<hbm>>, %arg4: memref<12288x128xf32, #tpu.memory_space<hbm>>, %arg5: memref<3x128xi32, #tpu.memory_space<vmem>>, %arg6: memref<128x128xf32, #tpu.memory_space<vmem>>, %arg7: memref<128x128xf32, #tpu.memory_space<vmem>>, %arg8: memref<128x128xf32, #tpu.memory_space<vmem>>, %arg9: memref<!tpu.dma_semaphore, #tpu.memory_space<semaphore_mem>>, %arg10: memref<!tpu.dma_semaphore, #tpu.memory_space<semaphore_mem>>, %arg11: memref<!tpu.dma_semaphore, #tpu.memory_space<semaphore_mem>>) attributes {dimension_semantics = [#tpu.dimension_semantics<core_parallel>, #tpu.dimension_semantics<subcore_parallel>], iteration_bounds = array<i64: 2, 16>, scalar_prefetch = 0 : i64, scratch_operands = 7 : i64, tpu.core_type = #tpu.core_type<sc_vector_subcore>, window_params = [{transform_indices = #map}, {transform_indices = #map1}, {transform_indices = #map}]} {
    %mul3A = arith.constant 16 : i32
    %mul3A_0 = arith.muli %arg0, %mul3A : i32
    %add3A = arith.addi %mul3A_0, %arg1 : i32
    "tpu.region"() ({
      %run_scoped3A = tpu.sem_alloc : memref<!tpu.dma_semaphore, #tpu.memory_space<semaphore_mem>>
      %dma_start3A_56 = arith.constant 0 : i32
      %dma_start3A_57 = arith.constant 0 : i32
      %dma_start3A_58 = tpu.memref_slice %arg3[%add3A, %dma_start3A_56, %dma_start3A_57] : memref<32x3x128xi32, #tpu.memory_space<hbm>> -> memref<1x3x128xi32, #tpu.memory_space<hbm>>
      %dma_start3A_59 = tpu.memref_squeeze %dma_start3A_58 : memref<1x3x128xi32, #tpu.memory_space<hbm>> -> memref<3x128xi32, #tpu.memory_space<hbm>>
      %dma_start3A_60 = arith.constant 0 : i32
      %dma_start3A_61 = arith.constant 0 : i32
      %dma_start3A_62 = tpu.memref_slice %arg3[%add3A, %dma_start3A_60, %dma_start3A_61] : memref<32x3x128xi32, #tpu.memory_space<hbm>> -> memref<1x3x128xi32, #tpu.memory_space<hbm>>
      %dma_start3A_63 = tpu.memref_squeeze %dma_start3A_62 : memref<1x3x128xi32, #tpu.memory_space<hbm>> -> memref<3x128xi32, #tpu.memory_space<hbm>>
      tpu.enqueue_dma source(%dma_start3A_63 : memref<3x128xi32, #tpu.memory_space<hbm>>) target(%arg5 : memref<3x128xi32, #tpu.memory_space<vmem>>) target_semaphore(%run_scoped3A : memref<!tpu.dma_semaphore, #tpu.memory_space<semaphore_mem>>)
      %dma_wait3A_64 = arith.constant 0 : i32
      %dma_wait3A_65 = arith.constant 0 : i32
      %dma_wait3A_66 = tpu.memref_slice %arg3[%add3A, %dma_wait3A_64, %dma_wait3A_65] : memref<32x3x128xi32, #tpu.memory_space<hbm>> -> memref<1x3x128xi32, #tpu.memory_space<hbm>>
      %dma_wait3A_67 = tpu.memref_squeeze %dma_wait3A_66 : memref<1x3x128xi32, #tpu.memory_space<hbm>> -> memref<3x128xi32, #tpu.memory_space<hbm>>
      %dma_wait3A_68 = arith.constant 0 : i32
      %dma_wait3A_69 = arith.constant 0 : i32
      %dma_wait3A_70 = tpu.memref_slice %arg3[%add3A, %dma_wait3A_68, %dma_wait3A_69] : memref<32x3x128xi32, #tpu.memory_space<hbm>> -> memref<1x3x128xi32, #tpu.memory_space<hbm>>
      %dma_wait3A_71 = tpu.memref_squeeze %dma_wait3A_70 : memref<1x3x128xi32, #tpu.memory_space<hbm>> -> memref<3x128xi32, #tpu.memory_space<hbm>>
      tpu.wait_dma2 semaphore(%run_scoped3A : memref<!tpu.dma_semaphore, #tpu.memory_space<semaphore_mem>>) src(%dma_wait3A_71 : memref<3x128xi32, #tpu.memory_space<hbm>>) dst(%arg5 : memref<3x128xi32, #tpu.memory_space<vmem>>)
      tpu.yield
    }) : () -> ()
    %dma_start3A = arith.constant 0 : i32
    %dma_start3A_1 = arith.constant 0 : i32
    %dma_start3A_2 = tpu.memref_slice %arg5[%dma_start3A, %dma_start3A_1] : memref<3x128xi32, #tpu.memory_space<vmem>> -> memref<1x128xi32, #tpu.memory_space<vmem>>
    %dma_start3A_3 = tpu.memref_squeeze %dma_start3A_2 : memref<1x128xi32, #tpu.memory_space<vmem>> -> memref<128xi32, #tpu.memory_space<vmem>>
    %dma_start3A_4 = arith.constant 0 : i32
    %dma_start3A_5 = arith.constant 0 : i32
    %dma_start3A_6 = tpu.memref_slice %arg2[%dma_start3A_4, %dma_start3A_5] : memref<10000x128xf32, #tpu.memory_space<hbm>> -> memref<10000x128xf32, #tpu.memory_space<hbm>>
    tpu.enqueue_indirect_dma source(%dma_start3A_6 : memref<10000x128xf32, #tpu.memory_space<hbm>>) target(%arg6 : memref<128x128xf32, #tpu.memory_space<vmem>>) offsets(%dma_start3A_3 : memref<128xi32, #tpu.memory_space<vmem>>) semaphore(%arg9 : memref<!tpu.dma_semaphore, #tpu.memory_space<semaphore_mem>>)
    %dma_start3A_7 = arith.constant 1 : i32
    %dma_start3A_8 = arith.constant 0 : i32
    %dma_start3A_9 = tpu.memref_slice %arg5[%dma_start3A_7, %dma_start3A_8] : memref<3x128xi32, #tpu.memory_space<vmem>> -> memref<1x128xi32, #tpu.memory_space<vmem>>
    %dma_start3A_10 = tpu.memref_squeeze %dma_start3A_9 : memref<1x128xi32, #tpu.memory_space<vmem>> -> memref<128xi32, #tpu.memory_space<vmem>>
    %dma_start3A_11 = arith.constant 0 : i32
    %dma_start3A_12 = arith.constant 0 : i32
    %dma_start3A_13 = tpu.memref_slice %arg2[%dma_start3A_11, %dma_start3A_12] : memref<10000x128xf32, #tpu.memory_space<hbm>> -> memref<10000x128xf32, #tpu.memory_space<hbm>>
    tpu.enqueue_indirect_dma source(%dma_start3A_13 : memref<10000x128xf32, #tpu.memory_space<hbm>>) target(%arg7 : memref<128x128xf32, #tpu.memory_space<vmem>>) offsets(%dma_start3A_10 : memref<128xi32, #tpu.memory_space<vmem>>) semaphore(%arg10 : memref<!tpu.dma_semaphore, #tpu.memory_space<semaphore_mem>>)
    %dma_start3A_14 = arith.constant 2 : i32
    %dma_start3A_15 = arith.constant 0 : i32
    %dma_start3A_16 = tpu.memref_slice %arg5[%dma_start3A_14, %dma_start3A_15] : memref<3x128xi32, #tpu.memory_space<vmem>> -> memref<1x128xi32, #tpu.memory_space<vmem>>
    %dma_start3A_17 = tpu.memref_squeeze %dma_start3A_16 : memref<1x128xi32, #tpu.memory_space<vmem>> -> memref<128xi32, #tpu.memory_space<vmem>>
    %dma_start3A_18 = arith.constant 0 : i32
    %dma_start3A_19 = arith.constant 0 : i32
    %dma_start3A_20 = tpu.memref_slice %arg2[%dma_start3A_18, %dma_start3A_19] : memref<10000x128xf32, #tpu.memory_space<hbm>> -> memref<10000x128xf32, #tpu.memory_space<hbm>>
    tpu.enqueue_indirect_dma source(%dma_start3A_20 : memref<10000x128xf32, #tpu.memory_space<hbm>>) target(%arg8 : memref<128x128xf32, #tpu.memory_space<vmem>>) offsets(%dma_start3A_17 : memref<128xi32, #tpu.memory_space<vmem>>) semaphore(%arg11 : memref<!tpu.dma_semaphore, #tpu.memory_space<semaphore_mem>>)
    %dma_wait3A = arith.constant 0 : i32
    %dma_wait3A_21 = arith.constant 0 : i32
    %dma_wait3A_22 = tpu.memref_slice %arg2[%dma_wait3A, %dma_wait3A_21] : memref<10000x128xf32, #tpu.memory_space<hbm>> -> memref<128x128xf32, #tpu.memory_space<hbm>>
    %dma_wait3A_23 = arith.constant 0 : i32
    %dma_wait3A_24 = arith.constant 0 : i32
    %dma_wait3A_25 = tpu.memref_slice %arg2[%dma_wait3A_23, %dma_wait3A_24] : memref<10000x128xf32, #tpu.memory_space<hbm>> -> memref<128x128xf32, #tpu.memory_space<hbm>>
    tpu.wait_dma2 semaphore(%arg9 : memref<!tpu.dma_semaphore, #tpu.memory_space<semaphore_mem>>) src(%dma_wait3A_25 : memref<128x128xf32, #tpu.memory_space<hbm>>) dst(%arg6 : memref<128x128xf32, #tpu.memory_space<vmem>>)
    %mul3A_26 = arith.constant 3 : i32
    %mul3A_27 = arith.muli %add3A, %mul3A_26 : i32
    %add3A_28 = arith.constant 0 : i32
    %add3A_29 = arith.addi %mul3A_27, %add3A_28 : i32
    %mul3A_30 = arith.constant 128 : i32
    %mul3A_31 = arith.muli %add3A_29, %mul3A_30 : i32
    "tpu.region"() ({
      %run_scoped3A = tpu.sem_alloc : memref<!tpu.dma_semaphore, #tpu.memory_space<semaphore_mem>>
      %dma_start3A_56 = arith.constant 0 : i32
      %dma_start3A_57 = tpu.memref_slice %arg4[%mul3A_31, %dma_start3A_56] : memref<12288x128xf32, #tpu.memory_space<hbm>> -> memref<128x128xf32, #tpu.memory_space<hbm>>
      %dma_start3A_58 = arith.constant 0 : i32
      %dma_start3A_59 = tpu.memref_slice %arg4[%mul3A_31, %dma_start3A_58] : memref<12288x128xf32, #tpu.memory_space<hbm>> -> memref<128x128xf32, #tpu.memory_space<hbm>>
      tpu.enqueue_dma source(%arg6 : memref<128x128xf32, #tpu.memory_space<vmem>>) target(%dma_start3A_59 : memref<128x128xf32, #tpu.memory_space<hbm>>) target_semaphore(%run_scoped3A : memref<!tpu.dma_semaphore, #tpu.memory_space<semaphore_mem>>)
      %dma_wait3A_60 = arith.constant 0 : i32
      %dma_wait3A_61 = tpu.memref_slice %arg4[%mul3A_31, %dma_wait3A_60] : memref<12288x128xf32, #tpu.memory_space<hbm>> -> memref<128x128xf32, #tpu.memory_space<hbm>>
      %dma_wait3A_62 = arith.constant 0 : i32
      %dma_wait3A_63 = tpu.memref_slice %arg4[%mul3A_31, %dma_wait3A_62] : memref<12288x128xf32, #tpu.memory_space<hbm>> -> memref<128x128xf32, #tpu.memory_space<hbm>>
      tpu.wait_dma2 semaphore(%run_scoped3A : memref<!tpu.dma_semaphore, #tpu.memory_space<semaphore_mem>>) src(%arg6 : memref<128x128xf32, #tpu.memory_space<vmem>>) dst(%dma_wait3A_63 : memref<128x128xf32, #tpu.memory_space<hbm>>)
      tpu.yield
    }) : () -> ()
    %dma_wait3A_32 = arith.constant 0 : i32
    %dma_wait3A_33 = arith.constant 0 : i32
    %dma_wait3A_34 = tpu.memref_slice %arg2[%dma_wait3A_32, %dma_wait3A_33] : memref<10000x128xf32, #tpu.memory_space<hbm>> -> memref<128x128xf32, #tpu.memory_space<hbm>>
    %dma_wait3A_35 = arith.constant 0 : i32
    %dma_wait3A_36 = arith.constant 0 : i32
    %dma_wait3A_37 = tpu.memref_slice %arg2[%dma_wait3A_35, %dma_wait3A_36] : memref<10000x128xf32, #tpu.memory_space<hbm>> -> memref<128x128xf32, #tpu.memory_space<hbm>>
    tpu.wait_dma2 semaphore(%arg10 : memref<!tpu.dma_semaphore, #tpu.memory_space<semaphore_mem>>) src(%dma_wait3A_37 : memref<128x128xf32, #tpu.memory_space<hbm>>) dst(%arg7 : memref<128x128xf32, #tpu.memory_space<vmem>>)
    %mul3A_38 = arith.constant 3 : i32
    %mul3A_39 = arith.muli %add3A, %mul3A_38 : i32
    %add3A_40 = arith.constant 1 : i32
    %add3A_41 = arith.addi %mul3A_39, %add3A_40 : i32
    %mul3A_42 = arith.constant 128 : i32
    %mul3A_43 = arith.muli %add3A_41, %mul3A_42 : i32
    "tpu.region"() ({
      %run_scoped3A = tpu.sem_alloc : memref<!tpu.dma_semaphore, #tpu.memory_space<semaphore_mem>>
      %dma_start3A_56 = arith.constant 0 : i32
      %dma_start3A_57 = tpu.memref_slice %arg4[%mul3A_43, %dma_start3A_56] : memref<12288x128xf32, #tpu.memory_space<hbm>> -> memref<128x128xf32, #tpu.memory_space<hbm>>
      %dma_start3A_58 = arith.constant 0 : i32
      %dma_start3A_59 = tpu.memref_slice %arg4[%mul3A_43, %dma_start3A_58] : memref<12288x128xf32, #tpu.memory_space<hbm>> -> memref<128x128xf32, #tpu.memory_space<hbm>>
      tpu.enqueue_dma source(%arg7 : memref<128x128xf32, #tpu.memory_space<vmem>>) target(%dma_start3A_59 : memref<128x128xf32, #tpu.memory_space<hbm>>) target_semaphore(%run_scoped3A : memref<!tpu.dma_semaphore, #tpu.memory_space<semaphore_mem>>)
      %dma_wait3A_60 = arith.constant 0 : i32
      %dma_wait3A_61 = tpu.memref_slice %arg4[%mul3A_43, %dma_wait3A_60] : memref<12288x128xf32, #tpu.memory_space<hbm>> -> memref<128x128xf32, #tpu.memory_space<hbm>>
      %dma_wait3A_62 = arith.constant 0 : i32
      %dma_wait3A_63 = tpu.memref_slice %arg4[%mul3A_43, %dma_wait3A_62] : memref<12288x128xf32, #tpu.memory_space<hbm>> -> memref<128x128xf32, #tpu.memory_space<hbm>>
      tpu.wait_dma2 semaphore(%run_scoped3A : memref<!tpu.dma_semaphore, #tpu.memory_space<semaphore_mem>>) src(%arg7 : memref<128x128xf32, #tpu.memory_space<vmem>>) dst(%dma_wait3A_63 : memref<128x128xf32, #tpu.memory_space<hbm>>)
      tpu.yield
    }) : () -> ()
    %dma_wait3A_44 = arith.constant 0 : i32
    %dma_wait3A_45 = arith.constant 0 : i32
    %dma_wait3A_46 = tpu.memref_slice %arg2[%dma_wait3A_44, %dma_wait3A_45] : memref<10000x128xf32, #tpu.memory_space<hbm>> -> memref<128x128xf32, #tpu.memory_space<hbm>>
    %dma_wait3A_47 = arith.constant 0 : i32
    %dma_wait3A_48 = arith.constant 0 : i32
    %dma_wait3A_49 = tpu.memref_slice %arg2[%dma_wait3A_47, %dma_wait3A_48] : memref<10000x128xf32, #tpu.memory_space<hbm>> -> memref<128x128xf32, #tpu.memory_space<hbm>>
    tpu.wait_dma2 semaphore(%arg11 : memref<!tpu.dma_semaphore, #tpu.memory_space<semaphore_mem>>) src(%dma_wait3A_49 : memref<128x128xf32, #tpu.memory_space<hbm>>) dst(%arg8 : memref<128x128xf32, #tpu.memory_space<vmem>>)
    %mul3A_50 = arith.constant 3 : i32
    %mul3A_51 = arith.muli %add3A, %mul3A_50 : i32
    %add3A_52 = arith.constant 2 : i32
    %add3A_53 = arith.addi %mul3A_51, %add3A_52 : i32
    %mul3A_54 = arith.constant 128 : i32
    %mul3A_55 = arith.muli %add3A_53, %mul3A_54 : i32
    "tpu.region"() ({
      %run_scoped3A = tpu.sem_alloc : memref<!tpu.dma_semaphore, #tpu.memory_space<semaphore_mem>>
      %dma_start3A_56 = arith.constant 0 : i32
      %dma_start3A_57 = tpu.memref_slice %arg4[%mul3A_55, %dma_start3A_56] : memref<12288x128xf32, #tpu.memory_space<hbm>> -> memref<128x128xf32, #tpu.memory_space<hbm>>
      %dma_start3A_58 = arith.constant 0 : i32
      %dma_start3A_59 = tpu.memref_slice %arg4[%mul3A_55, %dma_start3A_58] : memref<12288x128xf32, #tpu.memory_space<hbm>> -> memref<128x128xf32, #tpu.memory_space<hbm>>
      tpu.enqueue_dma source(%arg8 : memref<128x128xf32, #tpu.memory_space<vmem>>) target(%dma_start3A_59 : memref<128x128xf32, #tpu.memory_space<hbm>>) target_semaphore(%run_scoped3A : memref<!tpu.dma_semaphore, #tpu.memory_space<semaphore_mem>>)
      %dma_wait3A_60 = arith.constant 0 : i32
      %dma_wait3A_61 = tpu.memref_slice %arg4[%mul3A_55, %dma_wait3A_60] : memref<12288x128xf32, #tpu.memory_space<hbm>> -> memref<128x128xf32, #tpu.memory_space<hbm>>
      %dma_wait3A_62 = arith.constant 0 : i32
      %dma_wait3A_63 = tpu.memref_slice %arg4[%mul3A_55, %dma_wait3A_62] : memref<12288x128xf32, #tpu.memory_space<hbm>> -> memref<128x128xf32, #tpu.memory_space<hbm>>
      tpu.wait_dma2 semaphore(%run_scoped3A : memref<!tpu.dma_semaphore, #tpu.memory_space<semaphore_mem>>) src(%arg8 : memref<128x128xf32, #tpu.memory_space<vmem>>) dst(%dma_wait3A_63 : memref<128x128xf32, #tpu.memory_space<hbm>>)
      tpu.yield
    }) : () -> ()
    return
  }
}

module attributes {stable_mosaic.version = 14 : i64} {
  func.func @_mm_body(%arg0: memref<10000x128xf32, #tpu.memory_space<vmem>>, %arg1: memref<128x128xf32, #tpu.memory_space<vmem>>, %arg2: memref<32x10240xf32, #tpu.memory_space<vmem>>, %arg3: memref<10000x128xf32, #tpu.memory_space<vmem>>) attributes {dimension_semantics = [], scalar_prefetch = 0 : i64, scratch_operands = 0 : i64, tpu.core_type = #tpu.core_type<tc>} {
    %get3A = arith.constant 0 : index
    %get3A_0 = arith.constant 0 : index
    %get3A_1 = vector.load %arg0[%get3A, %get3A_0] : memref<10000x128xf32, #tpu.memory_space<vmem>>, vector<10000x128xf32>
    %get3A_2 = arith.constant 0 : index
    %get3A_3 = arith.constant 0 : index
    %get3A_4 = vector.load %arg1[%get3A_2, %get3A_3] : memref<128x128xf32, #tpu.memory_space<vmem>>, vector<128x128xf32>
    %dot_general3A = arith.constant dense<0.000000e+00> : vector<10000x128xf32>
    %dot_general3A_5 = tpu.matmul %get3A_1, %get3A_4, %dot_general3A {dimension_numbers = #tpu.dot_dimension_numbers<[1], [0], [0], [1], [0, 0, 1, 1], [], []>, transpose_lhs_hint = false} : vector<10000x128xf32>, vector<128x128xf32>, vector<10000x128xf32> -> vector<10000x128xf32>
    %get3A_6 = arith.constant 0 : index
    %get3A_7 = arith.constant 0 : index
    %get3A_8 = vector.load %arg2[%get3A_6, %get3A_7] : memref<32x10240xf32, #tpu.memory_space<vmem>>, vector<32x10240xf32>
    %reduce_sum3A = arith.constant dense<0.000000e+00> : vector<10240xf32>
    %reduce_sum3A_9 = vector.multi_reduction <add>, %get3A_8, %reduce_sum3A [0] : vector<32x10240xf32> to vector<10240xf32>
    %slice3A = vector.extract_strided_slice %reduce_sum3A_9 {offsets = [0], sizes = [10000], strides = [1]} : vector<10240xf32> to vector<10000xf32>
    %add3A = arith.constant 1.000000e+00 : f32
    %add3A_10 = vector.broadcast %add3A : f32 to vector<10000xf32>
    %add3A_11 = arith.addf %slice3A, %add3A_10 : vector<10000xf32>
    %rsqrt3A = math.rsqrt %add3A_11 : vector<10000xf32>
    %broadcast_in_dim3A = vector.shape_cast %rsqrt3A : vector<10000xf32> to vector<10000x1xf32>
    %mul3A = vector.broadcast %broadcast_in_dim3A : vector<10000x1xf32> to vector<10000x128xf32>
    %mul3A_12 = arith.mulf %dot_general3A_5, %mul3A : vector<10000x128xf32>
    %swap3A = arith.constant 0 : index
    %swap3A_13 = arith.constant 0 : index
    %swap3A_14 = vector.load %arg3[%swap3A, %swap3A_13] : memref<10000x128xf32, #tpu.memory_space<vmem>>, vector<10000x128xf32>
    tpu.vector_store %arg3[%swap3A, %swap3A_13], %mul3A_12 {strides = array<i32>} : memref<10000x128xf32, #tpu.memory_space<vmem>>, vector<10000x128xf32>,
    return
  }
}

module attributes {stable_mosaic.version = 14 : i64} {
  func.func @_epilogue_body(%arg0: memref<2x10000x128xf32, #tpu.memory_space<vmem>>, %arg1: memref<10000x128xf32, #tpu.memory_space<vmem>>, %arg2: memref<32x10240xf32, #tpu.memory_space<vmem>>, %arg3: memref<1x128xf32, #tpu.memory_space<vmem>>, %arg4: memref<10000x128xf32, #tpu.memory_space<vmem>>) attributes {dimension_semantics = [], scalar_prefetch = 0 : i64, scratch_operands = 0 : i64, tpu.core_type = #tpu.core_type<tc>} {
    %get3A = arith.constant 0 : index
    %get3A_0 = arith.constant 0 : index
    %get3A_1 = vector.load %arg2[%get3A, %get3A_0] : memref<32x10240xf32, #tpu.memory_space<vmem>>, vector<32x10240xf32>
    %reduce_sum3A = arith.constant dense<0.000000e+00> : vector<10240xf32>
    %reduce_sum3A_2 = vector.multi_reduction <add>, %get3A_1, %reduce_sum3A [0] : vector<32x10240xf32> to vector<10240xf32>
    %slice3A = vector.extract_strided_slice %reduce_sum3A_2 {offsets = [0], sizes = [10000], strides = [1]} : vector<10240xf32> to vector<10000xf32>
    %add3A = arith.constant 1.000000e+00 : f32
    %add3A_3 = vector.broadcast %add3A : f32 to vector<10000xf32>
    %add3A_4 = arith.addf %slice3A, %add3A_3 : vector<10000xf32>
    %rsqrt3A = math.rsqrt %add3A_4 : vector<10000xf32>
    %broadcast_in_dim3A = vector.shape_cast %rsqrt3A : vector<10000xf32> to vector<10000x1xf32>
    %get3A_5 = arith.constant 0 : index
    %get3A_6 = arith.constant 0 : index
    %get3A_7 = arith.constant 0 : index
    %get3A_8 = vector.load %arg0[%get3A_5, %get3A_6, %get3A_7] : memref<2x10000x128xf32, #tpu.memory_space<vmem>>, vector<1x10000x128xf32>
    %get3A_9 = vector.shape_cast %get3A_8 : vector<1x10000x128xf32> to vector<10000x128xf32>
    %get3A_10 = arith.constant 1 : index
    %get3A_11 = arith.constant 0 : index
    %get3A_12 = arith.constant 0 : index
    %get3A_13 = vector.load %arg0[%get3A_10, %get3A_11, %get3A_12] : memref<2x10000x128xf32, #tpu.memory_space<vmem>>, vector<1x10000x128xf32>
    %get3A_14 = vector.shape_cast %get3A_13 : vector<1x10000x128xf32> to vector<10000x128xf32>
    %add3A_15 = arith.addf %get3A_9, %get3A_14 : vector<10000x128xf32>
    %get3A_16 = arith.constant 0 : index
    %get3A_17 = arith.constant 0 : index
    %get3A_18 = vector.load %arg1[%get3A_16, %get3A_17] : memref<10000x128xf32, #tpu.memory_space<vmem>>, vector<10000x128xf32>
    %add3A_19 = arith.addf %add3A_15, %get3A_18 : vector<10000x128xf32>
    %mul3A = vector.broadcast %broadcast_in_dim3A : vector<10000x1xf32> to vector<10000x128xf32>
    %mul3A_20 = arith.mulf %mul3A, %add3A_19 : vector<10000x128xf32>
    %get3A_21 = arith.constant 0 : index
    %get3A_22 = arith.constant 0 : index
    %get3A_23 = vector.load %arg3[%get3A_21, %get3A_22] : memref<1x128xf32, #tpu.memory_space<vmem>>, vector<1x128xf32>
    %add3A_24 = vector.broadcast %get3A_23 : vector<1x128xf32> to vector<10000x128xf32>
    %add3A_25 = arith.addf %mul3A_20, %add3A_24 : vector<10000x128xf32>
    %max3A = arith.constant 0.000000e+00 : f32
    %max3A_26 = vector.broadcast %max3A : f32 to vector<10000x128xf32>
    %max3A_27 = arith.maximumf %add3A_25, %max3A_26 : vector<10000x128xf32>
    %reduce_max3A = arith.constant dense<0xFF800000> : vector<10000xf32>
    %reduce_max3A_28 = vector.multi_reduction <maximumf>, %max3A_27, %reduce_max3A [1] : vector<10000x128xf32> to vector<10000xf32>
    %broadcast_in_dim3A_29 = vector.shape_cast %reduce_max3A_28 : vector<10000xf32> to vector<10000x1xf32>
    %sub3A = vector.broadcast %broadcast_in_dim3A_29 : vector<10000x1xf32> to vector<10000x128xf32>
    %sub3A_30 = arith.subf %max3A_27, %sub3A : vector<10000x128xf32>
    %exp3A = math.exp %sub3A_30 : vector<10000x128xf32>
    %reduce_sum3A_31 = arith.constant dense<0.000000e+00> : vector<10000xf32>
    %reduce_sum3A_32 = vector.multi_reduction <add>, %exp3A, %reduce_sum3A_31 [1] : vector<10000x128xf32> to vector<10000xf32>
    %broadcast_in_dim3A_33 = vector.shape_cast %reduce_sum3A_32 : vector<10000xf32> to vector<10000x1xf32>
    %log3A = math.log %broadcast_in_dim3A_33 : vector<10000x1xf32>
    %sub3A_34 = vector.broadcast %log3A : vector<10000x1xf32> to vector<10000x128xf32>
    %sub3A_35 = arith.subf %sub3A_30, %sub3A_34 : vector<10000x128xf32>
    %swap3A = arith.constant 0 : index
    %swap3A_36 = arith.constant 0 : index
    %swap3A_37 = vector.load %arg4[%swap3A, %swap3A_36] : memref<10000x128xf32, #tpu.memory_space<vmem>>, vector<10000x128xf32>
    tpu.vector_store %arg4[%swap3A, %swap3A_36], %sub3A_35 {strides = array<i32>} : memref<10000x128xf32, #tpu.memory_space<vmem>>, vector<10000x128xf32>,
    return
  }
}

</mosaic_0001>

<sc_bundles>
// kernel: kernel.10.cloned.1.call-start
scs
__scs_entry_jumppad:
0x0: {  	(pc) =	sbr.rel $0x88, $3  }
0x1: {  	(tag) =	ssettag $0x0;
	lr =	simm.s32 $0x1  }
0x2: {  	[smem:$0x3F9C] =	sst lr;
	_ =	strace $0xD0000000  }
0x3: {  	_ = 	snop  }
0x4: {  	_ = 	snop  }
0x5: {  	_ = 	snop  }
0x6: {  	_ = 	snop  }
0x7: {  	_ = 	snop  }
__scs_overlays_trampoline_lowered:
0x8: {  	[smem:$0x3FAB] =	sst s0  }
0x9: {  	[smem:$0x3FAC] =	sst s1  }
0xa: {  	[smem:$0x3FAD] =	sst s2  }
0xb: {  	[smem:$0x3FAE] =	sst s3  }
0xc: {  	[smem:$0x3FAF] =	sst s4  }
0xd: {  	[smem:$0x3FB0] =	sst s5  }
0xe: {  	[smem:$0x3FB1] =	sst s6  }
0xf: {  	[smem:$0x3FB2] =	sst s7  }
0x10: {  	[smem:$0x3FB3] =	sst s8  }
0x11: {  	[smem:$0x3FB4] =	sst s9;
	s0 =	simm.s32 @!p0 $0x0  }
0x12: {  	s1 =	sld [smem:$0x3F9A];
	s0 =	simm.s32 @p0 $0x1  }
0x13: {  	[smem:$0x3FB5] =	sst s0;
	s0 =	simm.s32 @!p1 $0x0  }
0x14: {  	s2 =	sld [smem:$0x3F99];
	s0 =	simm.s32 @p1 $0x1  }
0x15: {  	[smem:$0x3FB6] =	sst s0;
	s0 =	simm.s32 @!p2 $0x0  }
0x16: {  	s3 =	sld [smem:$0x3FDB];
	s0 =	simm.s32 @p2 $0x1  }
0x17: {  	s4 =	simm.s32 $0x1BF5;
	[smem:$0x3FB8] =	sst s0  }
0x18: {  	s0 =	sld [smem:$0x3F9B];
	_ =	swait.ge [sflag:s4], $0x0  }
0x19: {  	s7 =	sld [smem:$0x3F9C]  }
0x1a: {  	s8 =	sadd.s32 $0xFFFFE003, lr  }
0x1b: {  	s9 =	sadd.s32 $0xFFFFFEF7, lr;
	s5 =	simm.s32 $0xFFFFFFFF;
	p2 =	slt.u32 s8, $0xFFFFF086  }
0x1c: {  	p1 =	slt.u32 s9, $0xF7A;
	s5 =	simm.s32 @!p2 $0x0  }
0x1d: {  	s5 =	simm.s32 @p1 $0x1;
	p0 =	seq.s32 s7, s2  }
0x1e: {  	s7 =	smul.u32 @!p0 $0xF7A, s2;
	p2 =	seq.s32 @!p0 s5, $0x0  }
0x1f: {  	s9 =	smul.u32 $0xF7A, s1;
	s8 =	simm.s32 @!p0 $0x1BF5;
	p2 =	por !p2, p0  }
0x20: {  	[sflag:s8] =	ssyncset.s32 @!p0 $0xFFFFF086;
	s6 =	sadd.s32 @!p0 s3, s7;
	s7 =	simm.s32 @!p0 $0x108  }
0x21: {  	s3 =	sadd.s32 s3, s9;
	s6 =	sadd.s32 @!p0 $0x88, s6;
	s7 =	simm.s32 @p2 $0x1082  }
0x22: {  	[simem:s7], [sflag:s8] =	dma.local @!p0 [hbm:s6], $0xF7A  }
0x23: {  	s9 =	sor.u32 $0xD0000000, s2;
	s6 =	simm.s32 $0x108;
	_ =	swait.ge @!p0 [sflag:s8], $0x0  }
0x24: {  	s3 =	sadd.s32 $0x88, s3;
	s6 =	simm.s32 @!p1 $0x1082;
	[sflag:s4] =	ssyncset.s32 $0xFFFFF086  }
0x25: {  	[simem:s6], [sflag:s4] =	dma.local [hbm:s3], $0xF7A  }
0x26: {  	[smem:$0x3F9C] =	sst s1;
	(tag) =	ssettag s2;
	_ =	strace s9  }
0x27: {  	s1 =	sld [smem:$0x3FAC]  }
0x28: {  	s2 =	sld [smem:$0x3FAD]  }
0x29: {  	s4 =	sld [smem:$0x3FAF]  }
0x2a: {  	p0 =	seq.s32 s5, $0x0;
	s5 =	sld [smem:$0x3FB0]  }
0x2b: {  	s6 =	sld [smem:$0x3FB1]  }
0x2c: {  	s7 =	sld [smem:$0x3FB2]  }
0x2d: {  	s3 =	simm.s32 $0x108;
	s8 =	sld [smem:$0x3FB3]  }
0x2e: {  	s3 =	simm.s32 @!p0 $0x1082;
	s9 =	sld [smem:$0x3FB4]  }
0x2f: {  	lr =	sadd.s32 s0, s3;
	s0 =	sld [smem:$0x3FAB]  }
0x30: {  	s3 =	sld [smem:$0x3FAE]  }
0x31: {  	[smem:$0x3FB7] =	sst s10  }
0x32: {  	s10 =	sld [smem:$0x3FB5];
	_ =	sdelay $0x3  }
0x33: {  	p0 =	seq.s32 s10, $0x1;
	s10 =	sld [smem:$0x3FB7];
	_ =	sdelay $0x3  }
0x34: {  	[smem:$0x3FB7] =	sst s10  }
0x35: {  	s10 =	sld [smem:$0x3FB6];
	_ =	sdelay $0x3  }
0x36: {  	p1 =	seq.s32 s10, $0x1;
	s10 =	sld [smem:$0x3FB7];
	_ =	sdelay $0x3  }
0x37: {  	[smem:$0x3FB7] =	sst s10  }
0x38: {  	s10 =	sld [smem:$0x3FB8]  }
0x39: {  	_ = 	snop;
	(pc) =	sbr.ind lr, $3  }
0x3a: {  	_ = 	snop  }
0x3b: {  	_ = 	snop  }
0x3c: {  	p2 =	seq.s32 s10, $0x1;
	s10 =	sld [smem:$0x3FB7]  }
0x3d: {  	_ =	shalt  }
0x3e: {  	_ =	shalt  }
0x3f: {  	_ =	shalt  }
0x40: {  	_ =	shalt  }
0x41: {  	_ =	shalt  }
0x42: {  	_ =	shalt  }
0x43: {  	_ =	shalt  }
0x44: {  	_ =	shalt  }
0x45: {  	_ =	shalt  }
0x46: {  	_ =	shalt  }
0x47: {  	_ =	shalt  }
0x48: {  	_ =	shalt  }
0x49: {  	_ =	shalt  }
0x4a: {  	_ =	shalt  }
0x4b: {  	_ =	shalt  }
0x4c: {  	_ =	shalt  }
0x4d: {  	_ =	shalt  }
0x4e: {  	_ =	shalt  }
0x4f: {  	_ =	shalt  }
0x50: {  	_ =	shalt  }
0x51: {  	_ =	shalt  }
0x52: {  	_ =	shalt  }
0x53: {  	_ =	shalt  }
0x54: {  	_ =	shalt  }
0x55: {  	_ =	shalt  }
0x56: {  	_ =	shalt  }
0x57: {  	_ =	shalt  }
0x58: {  	_ =	shalt  }
0x59: {  	_ =	shalt  }
0x5a: {  	_ =	shalt  }
0x5b: {  	_ =	shalt  }
0x5c: {  	_ =	shalt  }
0x5d: {  	_ =	shalt  }
0x5e: {  	_ =	shalt  }
0x5f: {  	_ =	shalt  }
0x60: {  	_ =	shalt  }
0x61: {  	_ =	shalt  }
0x62: {  	_ =	shalt  }
0x63: {  	_ =	shalt  }
0x64: {  	_ =	shalt  }
0x65: {  	_ =	shalt  }
0x66: {  	_ =	shalt  }
0x67: {  	_ =	shalt  }
0x68: {  	_ =	shalt  }
0x69: {  	_ =	shalt  }
0x6a: {  	_ =	shalt  }
0x6b: {  	_ =	shalt  }
0x6c: {  	_ =	shalt  }
0x6d: {  	_ =	shalt  }
0x6e: {  	_ =	shalt  }
0x6f: {  	_ =	shalt  }
0x70: {  	_ =	shalt  }
0x71: {  	_ =	shalt  }
0x72: {  	_ =	shalt  }
0x73: {  	_ =	shalt  }
0x74: {  	_ =	shalt  }
0x75: {  	_ =	shalt  }
0x76: {  	_ =	shalt  }
0x77: {  	_ =	shalt  }
0x78: {  	_ =	shalt  }
0x79: {  	_ =	shalt  }
0x7a: {  	_ =	shalt  }
0x7b: {  	_ =	shalt  }
0x7c: {  	_ =	shalt  }
0x7d: {  	_ =	shalt  }
0x7e: {  	_ =	shalt  }
0x7f: {  	_ =	shalt  }
0x80: {  	_ =	shalt  }
0x81: {  	_ =	shalt  }
0x82: {  	_ =	shalt  }
0x83: {  	_ =	shalt  }
0x84: {  	_ =	shalt  }
0x85: {  	_ =	shalt  }
0x86: {  	_ =	shalt  }
0x87: {  	_ =	shalt  }
.Lfunc_end0:
.L_simem_size_0:
called_computation.1_lowered:
.L_overlay_start_0:
0x88: {  	s2 =	sld [smem:$0x3FD9]  }
0x89: {  	s3 =	sld [smem:$0x3FFE];
	_ =	sdelay $0x1  }
0x8a: {  	s1 =	srdreg.scid  }
0x8b: {  	s0 =	sand.u32 $0x1, s1  }
0x8c: {  	s17 =	sshll.u32 s0, $0xA;
	s2 =	sadd.s32 s3, s2  }
0x8d: {  	s2 =	sadd.s32 s2, s17  }
0x8e: {  	[smem:$0x3FC3] =	sst s2  }
0x8f: {  	_ = 	snop  }
0x90: {  	s2 =	sld [smem:$0x3FD0];
	(tm) =	ssettm $0x1  }
0x91: {  	s18 =	sld [smem:$0x3FFB];
	_ =	sdelay $0x3  }
0x92: {  	_ =	strace s18  }
0x93: {  	s3 =	sld [smem:$0x3FFC];
	_ =	sdelay $0x3  }
0x94: {  	_ =	strace s3  }
0x95: {  	s3 =	sld [smem:$0x3FFD];
	_ =	sdelay $0x3  }
0x96: {  	_ =	strace s3  }
0x97: {  	_ =	strace $0x8FFFFFFF  }
0x98: {  	s19 =	sld [smem:$0x3FDB];
	_ =	sdelay $0x1  }
0x99: {  	s4 =	simm.s32 $_scs_section_size  }
0x9a: {  	s5 =	simm.s32 $_size__tile_overlayer_lowered;
	s6 =	simm.s32 $_tile_overlayer_lowered  }
0x9b: {  	s22 =	simm.s32 $0x1BFF;
	s21 =	sshll.u32 s6, $0x1;
	s3 =	sadd.s32 s4, s19  }
0x9c: {  	s7 =	simm.s32 $0x0;
	s20 =	sshll.u32 s5, $0x1;
	s5 =	sadd.s32 s21, s3  }
0x9d: {  	[timem:s7], [sflag:s22] =	dma.local [hbm:s5], s20  }
0x9e: {  	_ =	swait.ge [sflag:s22], s20  }
0x9f: {  	s4 =	ssub.s32 $0x0, s20;
	[sflag:s22] =	ssyncset.done $0x0  }
0xa0: {  	[sflag:s22] =	ssyncadd.s32 s4;
	_ =	sdelay $0x1  }
0xa1: {  	s23 =	simm.s32 $0x1B8B  }
0xa2: {  	_ =	swait.ge [sflag:s23], $0x1  }
0xa3: {  	[sflag:s23] =	ssyncset.done $0x0  }
0xa4: {  	s25 =	simm.s32 $0x1B8E;
	s24 =	sld [smem:$0x3FFE];
	[sflag:s23] =	ssyncadd.s32 $0xFFFFFFFF  }
0xa5: {  	s26 =	simm.s32 $execute0_lowered;
	[smem:$0x3FD2] =	sst s25  }
0xa6: {  	s5 =	sshll.u32 s26, $0x1;
	_ =	strace $0x80000049;
	[dreg:$0x1] =	wrdreg $0xFFFFFFFF  }
0xa7: {  	s28 =	simm.s32 $_size_execute0_lowered;
	s3 =	sadd.s32 s3, s5;
	[dreg:$0x0] =	wrdreg $0x0  }
0xa8: {  	s5 =	sshll.u32 s28, $0x1;
	[dreg:$0x2] =	wrdreg s3  }
0xa9: {  	[dreg:$0x3] =	wrdreg s5  }
0xaa: {  	[dreg:$0x4] =	wrdreg $0xC0  }
0xab: {  	_ =	task [dreg:s7], $0x5FFFF  }
0xac: {  	[dreg:$0x1] =	wrdreg $0xFFFFFFFF  }
0xad: {  	[dreg:$0x0] =	wrdreg $0x60  }
0xae: {  	[dreg:$0x2] =	wrdreg s2  }
0xaf: {  	[dreg:$0x3] =	wrdreg s24  }
0xb0: {  	[dreg:$0x4] =	wrdreg $0xA8000  }
0xb1: {  	[dreg:$0x5] =	wrdreg $0x9  }
0xb2: {  	_ =	task.clear_ibuf [dreg:s7], $0x6FFFF;
	_ =	strace $0x90000049  }
0xb3: {  	s29 =	simm.s32 $0x9;
	_ =	strace $0x8000004B  }
0xb4: {  	_ =	swait.ge [sflag:s29], $0x1  }
0xb5: {  	[sflag:s29] =	ssyncadd.s32 $0xFFFFFFFF  }
0xb6: {  	_ =	strace $0x9000004B  }
0xb7: {  	_ =	sfence  }
0xb8: {  	s30 =	sld [smem:$0x0];
	_ =	sdelay $0x2  }
0xb9: {  	s31 =	sshll.u32 s1, $0xD;
	s1 =	sshrl.u32 s1, $0x2  }
0xba: {  	s3 =	sand.u32 $0x4000, s31;
	s1 =	sadd.s32 s1, s30  }
0xbb: {  	s0 =	sor.u32 s3, s0;
	s1 =	sshll.u32 s1, $0x11  }
0xbc: {  	s0 =	sor.u32 s1, s0  }
0xbd: {  	s0 =	sadd.s32 $0x8F2B, s0  }
0xbe: {  	[sflag:s0] =	ssyncadd.remote.s32 $0x1  }
0xbf: {  	_ =	sfence.sel $0xFFFF  }
0xc0: {  	[dreg:$0x0] =	wrdreg $0xFFFFFFFF;
	(pc) =	sbr.abs _section_cstart, $3  }
0xc1: {  	[dreg:$0x1] =	wrdreg $0xFFFFFFFF  }
0xc2: {  	_ =	task.clear_ibuf [dreg:s7], $0x2FFFF;
	_ =	strace $0x9FFFFFFF  }
0xc3: {  	(tm) =	ssettm $0x7FFFFFFF  }
tec
execute0_lowered:
.L_overlay_start_1:
0x0: {  	(tag) =	ssettag $0x1  }
0x1: {  	s1 =	rddreg [dreg:$0x0]  }
0x2: {  	s0 =	rddreg [dreg:$0x1]  }
0x3: {  	s2 =	rddreg [dreg:$0x2];
	s3 =	simm.s32 $0x0  }
0x4: {  	s4 =	srdreg.scid;
	s25 =	stileid.u32;
	s28 =	simm.s32 $0x2  }
0x5: {  	s29 =	simm.s32 $0x1380;
	s30 =	simm.s32 $0x2700;
	s8 =	smul.u32 $0x50000, s25  }
0x6: {  	s31 =	simm.s32 $0x2780;
	[smem:$0x7FF] =	sst s3;
	s16 =	smul.u32 $0x2800, s25  }
0x7: {  	s13 =	sadd.s32 $0x2200, s0;
	s4 =	sand.u32 $0x1, s4;
	s9 =	smul.u32 $0x500, s25  }
0x8: {  	s14 =	sadd.s32 $0xC200, s0;
	s5 =	sadd.s32 $0x16200, s0;
	s15 =	smul.u32 $0x4E000, s25  }
0x9: {  	s0 =	sadd.s32 $0x18A00, s0;
	s19 =	sshll.u32 s25, $0x6;
	s23 =	smul.u32 $0x2700, s25  }
0xa: {  	p1 =	sne.s32 s25, $0xF;
	_ =	strace $0x8000004A;
	s6 =	ssub.s32 $0x2, s4  }
0xb: {  	p0 =	seq.s32 s4, $0x1;
	s7 =	sshrl.u32 s6, $0x1;
	s18 =	sshrl.u32 s8, $0x2  }
0xc: {  	s12 =	sshrl.u32 s16, $0x3;
	s20 =	sadd.s32 s13, s9;
	s21 =	sadd.s32 s14, s9  }
0xd: {  	s15 =	sshrl.u32 s15, $0x2;
	s17 =	ssub.s32 s6, s7;
	s18 =	sadd.s32 s18, s2  }
0xe: {  	s6 =	sor.u32 $0x1C03, s19;
	[dreg:$0x4] =	wrdreg s20;
	s10 =	sadd.s32 $0x280, s12  }
0xf: {  	[dreg:$0x5] =	wrdreg s21;
	s16 =	sadd.s32 $0x5000, s12;
	s19 =	smul.u32 $0x27100, s4  }
0x10: {  	s20 =	sadd.s32 $0x5280, s12;
	s4 =	smul.u32 $0x138800, s4;
	s24 =	sadd.s32 s15, s2  }
0x11: {  	s21 =	simm.s32 $0x80;
	s22 =	sadd.s32 s13, s10;
	s10 =	sadd.s32 s14, s10  }
0x12: {  	s11 =	sadd.s32 s13, s16;
	s12 =	sadd.s32 s14, s16;
	s13 =	sadd.s32 s13, s20  }
0x13: {  	s14 =	sadd.s32 s14, s20;
	s17 =	smax.u32 s17, $0x1;
	s18 =	sshrl.u32 s18, $0x3  }
.Ltmp0:
0x14: {  	s20 =	simm.s32 $0x1400;
	s24 =	sshrl.u32 s24, $0x3;
	(pc) =	sbr.rel .LBB2_1-.Ltmp0, $4  }
0x15: {  	[dreg:$0x6] =	wrdreg s22;
	s4 =	sshrl.u32 s4, $0x3;
	s26 =	sadd.s32 s23, s19  }
0x16: {  	s19 =	simm.s32 $0x3;
	s22 =	simm.s32 $0x2800;
	s23 =	simm.s32 $0x6800  }
0x17: {  	s4 =	sadd.s32 s0, s4;
	s15 =	sadd.s32 s0, s26;
	s0 =	sadd.s32 $0x138000, s2  }
0x18: {  	s26 =	simm.s32 $0x1;
	s16 =	sadd.s32 $0x27000, s4;
	s25 =	sshrl.u32 @!p1 s0, $0x3  }
.LBB2_11:
0x19: {  	s4 =	sadd.s32 $0x80, s0;
	[sflag:s19] =	ssyncadd.s32 $0xFFFFC000  }
0x1a: {  	[tilespmem:s23], [sflag:$0x2] =	stream.indirect.gather [hbm4b:s1+s21], $0x80, s4, s21, $0xb8;
	[tilespmem:$0x1E800] =	vst v63  }
0x1b: {  	_ =	swait.ge [sflag:s26], $0x4000  }
0x1c: {  	[sflag:s26] =	ssyncset.done $0x0  }
0x1d: {  	s7 =	sadd.s32 $0x1400, s0;
	[sflag:s26] =	ssyncadd.s32 $0xFFFFC000  }
0x1e: {  	[spmem:s2] =	stream.indirect.scatter.add.f32 [tilespmem:s22], [sflag:$0x3], $0x80, s7, s21, $0xb8;
	[tilespmem:$0x1E800] =	vst v63  }
0x1f: {  	_ =	swait.ge [sflag:s19], $0x4000  }
0x20: {  	[sflag:s19] =	ssyncset.done $0x0  }
0x21: {  	s8 =	sadd.s32 $0x100, s0;
	[sflag:s19] =	ssyncadd.s32 $0xFFFFC000  }
0x22: {  	[tilespmem:s22], [sflag:$0x1] =	stream.indirect.gather [hbm4b:s1+s21], $0x80, s8, s21, $0xb8;
	[tilespmem:$0x1E800] =	vst v63  }
0x23: {  	_ =	swait.ge [sflag:s28], $0x4000  }
0x24: {  	[sflag:s28] =	ssyncset.done $0x0  }
0x25: {  	s9 =	sadd.s32 $0x1480, s0;
	[sflag:s28] =	ssyncadd.s32 $0xFFFFC000  }
0x26: {  	[spmem:s2] =	stream.indirect.scatter.add.f32 [tilespmem:s23], [sflag:$0x3], $0x80, s9, s21, $0xb8;
	[tilespmem:$0x1E800] =	vst v63  }
0x27: {  	_ =	swait.ge [sflag:s19], $0x4000  }
0x28: {  	[sflag:s19] =	ssyncset.done $0x0  }
0x29: {  	[sflag:s19] =	ssyncadd.s32 $0xFFFFC000  }
.LBB2_12:
0x2a: {  	[tilespmem:s23], [sflag:$0x2] =	stream.indirect.gather [hbm4b:s1+s21], $0x80, s29, s21, $0xb8;
	[tilespmem:$0x1E800] =	vst v63  }
0x2b: {  	_ =	swait.ge [sflag:s26], $0x4000  }
0x2c: {  	[sflag:s26] =	ssyncset.done $0x0  }
0x2d: {  	[sflag:s26] =	ssyncadd.s32 $0xFFFFC000  }
0x2e: {  	[spmem:s2] =	stream.indirect.scatter.add.f32 [tilespmem:s22], [sflag:$0x3], $0x80, s30, s21, $0xb8;
	[tilespmem:$0x1E800] =	vst v63  }
0x2f: {  	_ =	swait.ge [sflag:s19], $0x4000  }
0x30: {  	[sflag:s19] =	ssyncset.done $0x0  }
0x31: {  	[sflag:s19] =	ssyncadd.s32 $0xFFFFC000  }
0x32: {  	_ =	swait.ge [sflag:s28], $0x4000  }
0x33: {  	[sflag:s28] =	ssyncset.done $0x0  }
0x34: {  	[sflag:s28] =	ssyncadd.s32 $0xFFFFC000  }
0x35: {  	[spmem:s2] =	stream.indirect.scatter.add.f32 [tilespmem:s23], [sflag:$0x3], $0x80, s31, s21, $0xb8;
	[tilespmem:$0x1E800] =	vst v63  }
0x36: {  	_ =	swait.ge [sflag:s19], $0x4000  }
0x37: {  	[sflag:s19] =	ssyncset.done $0x0  }
0x38: {  	[sflag:s19] =	ssyncadd.s32 $0xFFFFC000  }
0x39: {  	[bflag:$0x0] =	sbarrier.arrive $0xFFFF  }
0x3a: {  	[hbm:s15], [sflag:s6] =	dma.local [spmem:s24], $0x2700  }
0x3b: {  	s3 =	sadd.s32 $0x1, s3;
	_ =	swait.ge [sflag:s19], $0x2700  }
0x3c: {  	p2 =	sne.s32 s3, s17;
	[sflag:s19] =	ssyncset.done $0x0  }
.Ltmp1:
0x3d: {  	s0 =	simm.s32 @!p1 $0x3;
	[sflag:s19] =	ssyncadd.s32 $0xFFFFD900;
	(pc) =	sbr.rel @!p2 .LBB2_13-.Ltmp1, $4  }
0x3e: {  	[hbm:s16], [sflag:s6] =	dma.local @!p1 [spmem:s25], $0x100  }
0x3f: {  	_ =	swait.ge @!p1 [sflag:s0], $0x100  }
0x40: {  	[sflag:s0] =	ssyncset.done @!p1 $0x0  }
0x41: {  	[sflag:s0] =	ssyncadd.s32 @!p1 $0xFFFFFF00  }
.LBB2_1:
0x42: {  	[spmem:s18], [sflag:s6] =	dma.local [hbm:s5], $0x2800  }
.Ltmp2:
0x43: {  	_ =	swait.ge [sflag:s19], $0x2800;
	(pc) =	sbr.rel @!p0 .LBB2_2-.Ltmp2, $4  }
0x44: {  	[sflag:s19] =	ssyncset.done $0x0  }
0x45: {  	[sflag:s19] =	ssyncadd.s32 $0xFFFFD800  }
0x46: {  	[bflag:$0x0] =	sbarrier.arrive $0xFFFF  }
0x47: {  	s0 =	simm.s32 $0x0  }
0x48: {  	[tilespmem:s0], [sflag:$0x3] =	stream.linear.gather [hbm4b:s11+s0], $0x1400, $0x38;
	[tilespmem:$0x1E800] =	vst v63  }
0x49: {  	_ =	swait.ge [sflag:s19], $0x1400  }
0x4a: {  	[sflag:s19] =	ssyncset.done $0x0  }
0x4b: {  	[sflag:s19] =	ssyncadd.s32 $0xFFFFEC00  }
0x4c: {  	[tilespmem:s20], [sflag:$0x3] =	stream.linear.gather [hbm4b:s12+s0], $0x1400, $0x38;
	[tilespmem:$0x1E800] =	vst v63  }
0x4d: {  	_ =	swait.ge [sflag:s19], $0x1400  }
0x4e: {  	[sflag:s19] =	ssyncset.done $0x0  }
0x4f: {  	[sflag:s19] =	ssyncadd.s32 $0xFFFFEC00  }
0x50: {  	[tilespmem:s22], [sflag:$0x1] =	stream.indirect.gather [hbm4b:s1+s21], $0x80, s0, s21, $0xb8;
	[tilespmem:$0x1E800] =	vst v63  }
0x51: {  	s4 =	simm.s32 $0x80  }
0x52: {  	[tilespmem:s23], [sflag:$0x2] =	stream.indirect.gather [hbm4b:s1+s21], $0x80, s4, s21, $0xb8;
	[tilespmem:$0x1E800] =	vst v63  }
0x53: {  	_ =	swait.ge [sflag:s26], $0x4000  }
0x54: {  	[sflag:s26] =	ssyncset.done $0x0  }
0x55: {  	s7 =	simm.s32 $0x1400;
	[sflag:s26] =	ssyncadd.s32 $0xFFFFC000  }
0x56: {  	[spmem:s2] =	stream.indirect.scatter.add.f32 [tilespmem:s22], [sflag:$0x3], $0x80, s7, s21, $0xb8;
	[tilespmem:$0x1E800] =	vst v63  }
0x57: {  	_ =	swait.ge [sflag:s19], $0x4000  }
0x58: {  	[sflag:s19] =	ssyncset.done $0x0  }
0x59: {  	s8 =	simm.s32 $0x100;
	[sflag:s19] =	ssyncadd.s32 $0xFFFFC000  }
0x5a: {  	[tilespmem:s22], [sflag:$0x1] =	stream.indirect.gather [hbm4b:s1+s21], $0x80, s8, s21, $0xb8;
	[tilespmem:$0x1E800] =	vst v63  }
0x5b: {  	_ =	swait.ge [sflag:s28], $0x4000  }
0x5c: {  	[sflag:s28] =	ssyncset.done $0x0  }
0x5d: {  	s9 =	simm.s32 $0x1480;
	[sflag:s28] =	ssyncadd.s32 $0xFFFFC000  }
0x5e: {  	[spmem:s2] =	stream.indirect.scatter.add.f32 [tilespmem:s23], [sflag:$0x3], $0x80, s9, s21, $0xb8;
	[tilespmem:$0x1E800] =	vst v63  }
0x5f: {  	_ =	swait.ge [sflag:s19], $0x4000  }
0x60: {  	s0 =	simm.s32 $0x100;
	s4 =	simm.s32 $0x800;
	[sflag:s19] =	ssyncset.done $0x0  }
.LBB2_8:
0x61: {  	s7 =	sadd.s32 $0x80, s0  }
0x62: {  	[sflag:s19] =	ssyncadd.s32 $0xFFFFC000;
	s8 =	smov.u32 s4;
	s9 =	sadd.s32 $0x400, s4  }
0x63: {  	[tilespmem:s23], [sflag:$0x2] =	stream.indirect.gather [hbm4b:s1+s21], $0x80, s7, s21, $0xb8;
	[tilespmem:$0x1E800] =	vst v63  }
0x64: {  	p2 =	sne.s32 s4, $0x4800;
	_ =	swait.ge [sflag:s26], $0x4000  }
0x65: {  	[sflag:s26] =	ssyncset.done $0x0  }
0x66: {  	s4 =	sadd.s32 $0x1400, s0;
	[sflag:s26] =	ssyncadd.s32 $0xFFFFC000  }
0x67: {  	[spmem:s2] =	stream.indirect.scatter.add.f32 [tilespmem:s22], [sflag:$0x3], $0x80, s4, s21, $0xb8;
	[tilespmem:$0x1E800] =	vst v63  }
0x68: {  	_ =	swait.ge [sflag:s19], $0x4000  }
0x69: {  	[sflag:s19] =	ssyncset.done $0x0  }
0x6a: {  	s4 =	sadd.s32 $0x100, s0;
	[sflag:s19] =	ssyncadd.s32 $0xFFFFC000  }
0x6b: {  	[tilespmem:s22], [sflag:$0x1] =	stream.indirect.gather [hbm4b:s1+s21], $0x80, s4, s21, $0xb8;
	[tilespmem:$0x1E800] =	vst v63  }
0x6c: {  	_ =	swait.ge [sflag:s28], $0x4000  }
.Ltmp3:
0x6d: {  	[sflag:s28] =	ssyncset.done $0x0;
	(pc) =	sbr.rel @p2 .LBB2_8-.Ltmp3, $4  }
0x6e: {  	s0 =	sadd.s32 $0x1480, s0;
	[sflag:s28] =	ssyncadd.s32 $0xFFFFC000  }
0x6f: {  	[spmem:s2] =	stream.indirect.scatter.add.f32 [tilespmem:s23], [sflag:$0x3], $0x80, s0, s21, $0xb8;
	[tilespmem:$0x1E800] =	vst v63  }
0x70: {  	_ =	swait.ge [sflag:s19], $0x4000  }
0x71: {  	s4 =	smov.u32 s9;
	s0 =	sshra.s32 s8, $0x2;
	[sflag:s19] =	ssyncset.done $0x0  }
0x72: {  	s4 =	sadd.s32 $0x80, s0;
	[sflag:s19] =	ssyncadd.s32 $0xFFFFC000  }
0x73: {  	[tilespmem:s23], [sflag:$0x2] =	stream.indirect.gather [hbm4b:s1+s21], $0x80, s4, s21, $0xb8;
	[tilespmem:$0x1E800] =	vst v63  }
0x74: {  	_ =	swait.ge [sflag:s26], $0x4000  }
0x75: {  	[sflag:s26] =	ssyncset.done $0x0  }
0x76: {  	s9 =	sadd.s32 $0x1400, s0;
	[sflag:s26] =	ssyncadd.s32 $0xFFFFC000  }
0x77: {  	[spmem:s2] =	stream.indirect.scatter.add.f32 [tilespmem:s22], [sflag:$0x3], $0x80, s9, s21, $0xb8;
	[tilespmem:$0x1E800] =	vst v63  }
0x78: {  	_ =	swait.ge [sflag:s19], $0x4000  }
0x79: {  	[sflag:s19] =	ssyncset.done $0x0  }
0x7a: {  	s7 =	sadd.s32 $0x100, s0;
	[sflag:s19] =	ssyncadd.s32 $0xFFFFC000  }
0x7b: {  	[tilespmem:s22], [sflag:$0x1] =	stream.indirect.gather [hbm4b:s1+s21], $0x80, s7, s21, $0xb8;
	[tilespmem:$0x1E800] =	vst v63  }
0x7c: {  	_ =	swait.ge [sflag:s28], $0x4000  }
0x7d: {  	[sflag:s28] =	ssyncset.done $0x0  }
0x7e: {  	s8 =	sadd.s32 $0x1480, s0;
	[sflag:s28] =	ssyncadd.s32 $0xFFFFC000  }
0x7f: {  	[spmem:s2] =	stream.indirect.scatter.add.f32 [tilespmem:s23], [sflag:$0x3], $0x80, s8, s21, $0xb8;
	[tilespmem:$0x1E800] =	vst v63  }
0x80: {  	_ =	swait.ge [sflag:s19], $0x4000  }
0x81: {  	[sflag:s19] =	ssyncset.done $0x0  }
0x82: {  	[sflag:s19] =	ssyncadd.s32 $0xFFFFC000  }
0x83: {  	[tilespmem:s23], [sflag:$0x2] =	stream.indirect.gather [hbm4b:s1+s21], $0x80, s29, s21, $0xb8;
	[tilespmem:$0x1E800] =	vst v63  }
0x84: {  	_ =	swait.ge [sflag:s26], $0x4000  }
0x85: {  	[sflag:s26] =	ssyncset.done $0x0  }
0x86: {  	[sflag:s26] =	ssyncadd.s32 $0xFFFFC000  }
0x87: {  	[spmem:s2] =	stream.indirect.scatter.add.f32 [tilespmem:s22], [sflag:$0x3], $0x80, s30, s21, $0xb8;
	[tilespmem:$0x1E800] =	vst v63  }
0x88: {  	_ =	swait.ge [sflag:s19], $0x4000  }
0x89: {  	[sflag:s19] =	ssyncset.done $0x0  }
0x8a: {  	[sflag:s19] =	ssyncadd.s32 $0xFFFFC000  }
0x8b: {  	_ =	swait.ge [sflag:s28], $0x4000  }
0x8c: {  	[sflag:s28] =	ssyncset.done $0x0  }
0x8d: {  	[sflag:s28] =	ssyncadd.s32 $0xFFFFC000  }
0x8e: {  	[spmem:s2] =	stream.indirect.scatter.add.f32 [tilespmem:s23], [sflag:$0x3], $0x80, s31, s21, $0xb8;
	[tilespmem:$0x1E800] =	vst v63  }
0x8f: {  	_ =	swait.ge [sflag:s19], $0x4000  }
0x90: {  	[sflag:s19] =	ssyncset.done $0x0  }
0x91: {  	s9 =	simm.s32 $0x0;
	[sflag:s19] =	ssyncadd.s32 $0xFFFFC000  }
0x92: {  	[tilespmem:s9], [sflag:$0x3] =	stream.linear.gather [hbm4b:s13+s9], $0x1400, $0x38;
	[tilespmem:$0x1E800] =	vst v63  }
0x93: {  	_ =	swait.ge [sflag:s19], $0x1400  }
0x94: {  	[sflag:s19] =	ssyncset.done $0x0  }
0x95: {  	[sflag:s19] =	ssyncadd.s32 $0xFFFFEC00  }
0x96: {  	[tilespmem:s20], [sflag:$0x3] =	stream.linear.gather [hbm4b:s14+s9], $0x1400, $0x38;
	[tilespmem:$0x1E800] =	vst v63  }
0x97: {  	_ =	swait.ge [sflag:s19], $0x1400  }
0x98: {  	[sflag:s19] =	ssyncset.done $0x0  }
0x99: {  	[sflag:s19] =	ssyncadd.s32 $0xFFFFEC00  }
0x9a: {  	[tilespmem:s22], [sflag:$0x1] =	stream.indirect.gather [hbm4b:s1+s21], $0x80, s9, s21, $0xb8;
	[tilespmem:$0x1E800] =	vst v63  }
0x9b: {  	s4 =	simm.s32 $0x80  }
0x9c: {  	[tilespmem:s23], [sflag:$0x2] =	stream.indirect.gather [hbm4b:s1+s21], $0x80, s4, s21, $0xb8;
	[tilespmem:$0x1E800] =	vst v63  }
0x9d: {  	_ =	swait.ge [sflag:s26], $0x4000  }
0x9e: {  	[sflag:s26] =	ssyncset.done $0x0  }
0x9f: {  	s7 =	simm.s32 $0x1400;
	[sflag:s26] =	ssyncadd.s32 $0xFFFFC000  }
0xa0: {  	[spmem:s2] =	stream.indirect.scatter.add.f32 [tilespmem:s22], [sflag:$0x3], $0x80, s7, s21, $0xb8;
	[tilespmem:$0x1E800] =	vst v63  }
0xa1: {  	_ =	swait.ge [sflag:s19], $0x4000  }
0xa2: {  	[sflag:s19] =	ssyncset.done $0x0  }
0xa3: {  	s8 =	simm.s32 $0x100;
	[sflag:s19] =	ssyncadd.s32 $0xFFFFC000  }
0xa4: {  	[tilespmem:s22], [sflag:$0x1] =	stream.indirect.gather [hbm4b:s1+s21], $0x80, s8, s21, $0xb8;
	[tilespmem:$0x1E800] =	vst v63  }
0xa5: {  	_ =	swait.ge [sflag:s28], $0x4000  }
0xa6: {  	[sflag:s28] =	ssyncset.done $0x0  }
0xa7: {  	s9 =	simm.s32 $0x1480;
	[sflag:s28] =	ssyncadd.s32 $0xFFFFC000  }
0xa8: {  	[spmem:s2] =	stream.indirect.scatter.add.f32 [tilespmem:s23], [sflag:$0x3], $0x80, s9, s21, $0xb8;
	[tilespmem:$0x1E800] =	vst v63  }
0xa9: {  	_ =	swait.ge [sflag:s19], $0x4000  }
0xaa: {  	s0 =	simm.s32 $0x100;
	s4 =	simm.s32 $0x800;
	[sflag:s19] =	ssyncset.done $0x0  }
.LBB2_10:
0xab: {  	s7 =	sadd.s32 $0x80, s0  }
0xac: {  	[sflag:s19] =	ssyncadd.s32 $0xFFFFC000;
	s8 =	smov.u32 s4;
	s9 =	sadd.s32 $0x400, s4  }
0xad: {  	[tilespmem:s23], [sflag:$0x2] =	stream.indirect.gather [hbm4b:s1+s21], $0x80, s7, s21, $0xb8;
	[tilespmem:$0x1E800] =	vst v63  }
0xae: {  	p2 =	sne.s32 s4, $0x4800;
	_ =	swait.ge [sflag:s26], $0x4000  }
0xaf: {  	[sflag:s26] =	ssyncset.done $0x0  }
0xb0: {  	s4 =	sadd.s32 $0x1400, s0;
	[sflag:s26] =	ssyncadd.s32 $0xFFFFC000  }
0xb1: {  	[spmem:s2] =	stream.indirect.scatter.add.f32 [tilespmem:s22], [sflag:$0x3], $0x80, s4, s21, $0xb8;
	[tilespmem:$0x1E800] =	vst v63  }
0xb2: {  	_ =	swait.ge [sflag:s19], $0x4000  }
0xb3: {  	[sflag:s19] =	ssyncset.done $0x0  }
0xb4: {  	s4 =	sadd.s32 $0x100, s0;
	[sflag:s19] =	ssyncadd.s32 $0xFFFFC000  }
0xb5: {  	[tilespmem:s22], [sflag:$0x1] =	stream.indirect.gather [hbm4b:s1+s21], $0x80, s4, s21, $0xb8;
	[tilespmem:$0x1E800] =	vst v63  }
0xb6: {  	_ =	swait.ge [sflag:s28], $0x4000  }
.Ltmp4:
0xb7: {  	[sflag:s28] =	ssyncset.done $0x0;
	(pc) =	sbr.rel @p2 .LBB2_10-.Ltmp4, $4  }
0xb8: {  	s0 =	sadd.s32 $0x1480, s0;
	[sflag:s28] =	ssyncadd.s32 $0xFFFFC000  }
0xb9: {  	[spmem:s2] =	stream.indirect.scatter.add.f32 [tilespmem:s23], [sflag:$0x3], $0x80, s0, s21, $0xb8;
	[tilespmem:$0x1E800] =	vst v63  }
0xba: {  	_ =	swait.ge [sflag:s19], $0x4000  }
0xbb: {  	s4 =	smov.u32 s9;
	s0 =	sshra.s32 s8, $0x2;
	[sflag:s19] =	ssyncset.done $0x0  }
.Ltmp5:
0xbc: {  	_ = 	snop;
	(pc) =	sbr.rel .LBB2_11-.Ltmp5, $1  }
0xbd: {  	_ =	sdelay $0x3  }
.LBB2_2:
0xbe: {  	s4 =	rddreg [dreg:$0x4]  }
0xbf: {  	[tilespmem:s0], [sflag:$0x3] =	stream.linear.gather [hbm4b:s4+s0], $0x1400, $0x38;
	[tilespmem:$0x1E800] =	vst v63  }
0xc0: {  	_ =	swait.ge [sflag:s19], $0x1400  }
0xc1: {  	[sflag:s19] =	ssyncset.done $0x0  }
0xc2: {  	s9 =	rddreg [dreg:$0x5];
	[sflag:s19] =	ssyncadd.s32 $0xFFFFEC00  }
0xc3: {  	[tilespmem:s20], [sflag:$0x3] =	stream.linear.gather [hbm4b:s9+s0], $0x1400, $0x38;
	[tilespmem:$0x1E800] =	vst v63  }
0xc4: {  	_ =	swait.ge [sflag:s19], $0x1400  }
0xc5: {  	[sflag:s19] =	ssyncset.done $0x0  }
0xc6: {  	[sflag:s19] =	ssyncadd.s32 $0xFFFFEC00  }
0xc7: {  	[tilespmem:s22], [sflag:$0x1] =	stream.indirect.gather [hbm4b:s1+s21], $0x80, s0, s21, $0xb8;
	[tilespmem:$0x1E800] =	vst v63  }
0xc8: {  	s4 =	simm.s32 $0x80  }
0xc9: {  	[tilespmem:s23], [sflag:$0x2] =	stream.indirect.gather [hbm4b:s1+s21], $0x80, s4, s21, $0xb8;
	[tilespmem:$0x1E800] =	vst v63  }
0xca: {  	_ =	swait.ge [sflag:s26], $0x4000  }
0xcb: {  	[sflag:s26] =	ssyncset.done $0x0  }
0xcc: {  	s7 =	simm.s32 $0x1400;
	[sflag:s26] =	ssyncadd.s32 $0xFFFFC000  }
0xcd: {  	[spmem:s2] =	stream.indirect.scatter.add.f32 [tilespmem:s22], [sflag:$0x3], $0x80, s7, s21, $0xb8;
	[tilespmem:$0x1E800] =	vst v63  }
0xce: {  	_ =	swait.ge [sflag:s19], $0x4000  }
0xcf: {  	[sflag:s19] =	ssyncset.done $0x0  }
0xd0: {  	s8 =	simm.s32 $0x100;
	[sflag:s19] =	ssyncadd.s32 $0xFFFFC000  }
0xd1: {  	[tilespmem:s22], [sflag:$0x1] =	stream.indirect.gather [hbm4b:s1+s21], $0x80, s8, s21, $0xb8;
	[tilespmem:$0x1E800] =	vst v63  }
0xd2: {  	_ =	swait.ge [sflag:s28], $0x4000  }
0xd3: {  	[sflag:s28] =	ssyncset.done $0x0  }
0xd4: {  	s9 =	simm.s32 $0x1480;
	[sflag:s28] =	ssyncadd.s32 $0xFFFFC000  }
0xd5: {  	[spmem:s2] =	stream.indirect.scatter.add.f32 [tilespmem:s23], [sflag:$0x3], $0x80, s9, s21, $0xb8;
	[tilespmem:$0x1E800] =	vst v63  }
0xd6: {  	_ =	swait.ge [sflag:s19], $0x4000  }
0xd7: {  	s0 =	simm.s32 $0x100;
	s4 =	simm.s32 $0x800;
	[sflag:s19] =	ssyncset.done $0x0  }
.LBB2_3:
0xd8: {  	s7 =	sadd.s32 $0x80, s0  }
0xd9: {  	[sflag:s19] =	ssyncadd.s32 $0xFFFFC000;
	s8 =	smov.u32 s4;
	s9 =	sadd.s32 $0x400, s4  }
0xda: {  	[tilespmem:s23], [sflag:$0x2] =	stream.indirect.gather [hbm4b:s1+s21], $0x80, s7, s21, $0xb8;
	[tilespmem:$0x1E800] =	vst v63  }
0xdb: {  	p2 =	sne.s32 s4, $0x4800;
	_ =	swait.ge [sflag:s26], $0x4000  }
0xdc: {  	[sflag:s26] =	ssyncset.done $0x0  }
0xdd: {  	s4 =	sadd.s32 $0x1400, s0;
	[sflag:s26] =	ssyncadd.s32 $0xFFFFC000  }
0xde: {  	[spmem:s2] =	stream.indirect.scatter.add.f32 [tilespmem:s22], [sflag:$0x3], $0x80, s4, s21, $0xb8;
	[tilespmem:$0x1E800] =	vst v63  }
0xdf: {  	_ =	swait.ge [sflag:s19], $0x4000  }
0xe0: {  	[sflag:s19] =	ssyncset.done $0x0  }
0xe1: {  	s4 =	sadd.s32 $0x100, s0;
	[sflag:s19] =	ssyncadd.s32 $0xFFFFC000  }
0xe2: {  	[tilespmem:s22], [sflag:$0x1] =	stream.indirect.gather [hbm4b:s1+s21], $0x80, s4, s21, $0xb8;
	[tilespmem:$0x1E800] =	vst v63  }
0xe3: {  	_ =	swait.ge [sflag:s28], $0x4000  }
.Ltmp6:
0xe4: {  	[sflag:s28] =	ssyncset.done $0x0;
	(pc) =	sbr.rel @p2 .LBB2_3-.Ltmp6, $4  }
0xe5: {  	s0 =	sadd.s32 $0x1480, s0;
	[sflag:s28] =	ssyncadd.s32 $0xFFFFC000  }
0xe6: {  	[spmem:s2] =	stream.indirect.scatter.add.f32 [tilespmem:s23], [sflag:$0x3], $0x80, s0, s21, $0xb8;
	[tilespmem:$0x1E800] =	vst v63  }
0xe7: {  	_ =	swait.ge [sflag:s19], $0x4000  }
0xe8: {  	s4 =	smov.u32 s9;
	s0 =	sshra.s32 s8, $0x2;
	[sflag:s19] =	ssyncset.done $0x0  }
0xe9: {  	s4 =	sadd.s32 $0x80, s0;
	[sflag:s19] =	ssyncadd.s32 $0xFFFFC000  }
0xea: {  	[tilespmem:s23], [sflag:$0x2] =	stream.indirect.gather [hbm4b:s1+s21], $0x80, s4, s21, $0xb8;
	[tilespmem:$0x1E800] =	vst v63  }
0xeb: {  	_ =	swait.ge [sflag:s26], $0x4000  }
0xec: {  	[sflag:s26] =	ssyncset.done $0x0  }
0xed: {  	s8 =	sadd.s32 $0x1400, s0;
	[sflag:s26] =	ssyncadd.s32 $0xFFFFC000  }
0xee: {  	[spmem:s2] =	stream.indirect.scatter.add.f32 [tilespmem:s22], [sflag:$0x3], $0x80, s8, s21, $0xb8;
	[tilespmem:$0x1E800] =	vst v63  }
0xef: {  	_ =	swait.ge [sflag:s19], $0x4000  }
0xf0: {  	[sflag:s19] =	ssyncset.done $0x0  }
0xf1: {  	s9 =	sadd.s32 $0x100, s0;
	[sflag:s19] =	ssyncadd.s32 $0xFFFFC000  }
0xf2: {  	[tilespmem:s22], [sflag:$0x1] =	stream.indirect.gather [hbm4b:s1+s21], $0x80, s9, s21, $0xb8;
	[tilespmem:$0x1E800] =	vst v63  }
0xf3: {  	_ =	swait.ge [sflag:s28], $0x4000  }
0xf4: {  	[sflag:s28] =	ssyncset.done $0x0  }
0xf5: {  	s7 =	sadd.s32 $0x1480, s0;
	[sflag:s28] =	ssyncadd.s32 $0xFFFFC000  }
0xf6: {  	[spmem:s2] =	stream.indirect.scatter.add.f32 [tilespmem:s23], [sflag:$0x3], $0x80, s7, s21, $0xb8;
	[tilespmem:$0x1E800] =	vst v63  }
0xf7: {  	_ =	swait.ge [sflag:s19], $0x4000  }
0xf8: {  	[sflag:s19] =	ssyncset.done $0x0  }
0xf9: {  	[sflag:s19] =	ssyncadd.s32 $0xFFFFC000  }
0xfa: {  	[tilespmem:s23], [sflag:$0x2] =	stream.indirect.gather [hbm4b:s1+s21], $0x80, s29, s21, $0xb8;
	[tilespmem:$0x1E800] =	vst v63  }
0xfb: {  	_ =	swait.ge [sflag:s26], $0x4000  }
0xfc: {  	[sflag:s26] =	ssyncset.done $0x0  }
0xfd: {  	[sflag:s26] =	ssyncadd.s32 $0xFFFFC000  }
0xfe: {  	[spmem:s2] =	stream.indirect.scatter.add.f32 [tilespmem:s22], [sflag:$0x3], $0x80, s30, s21, $0xb8;
	[tilespmem:$0x1E800] =	vst v63  }
0xff: {  	_ =	swait.ge [sflag:s19], $0x4000  }
0x100: {  	[sflag:s19] =	ssyncset.done $0x0  }
0x101: {  	[sflag:s19] =	ssyncadd.s32 $0xFFFFC000  }
0x102: {  	_ =	swait.ge [sflag:s28], $0x4000  }
0x103: {  	[sflag:s28] =	ssyncset.done $0x0  }
0x104: {  	[sflag:s28] =	ssyncadd.s32 $0xFFFFC000  }
0x105: {  	[spmem:s2] =	stream.indirect.scatter.add.f32 [tilespmem:s23], [sflag:$0x3], $0x80, s31, s21, $0xb8;
	[tilespmem:$0x1E800] =	vst v63  }
0x106: {  	_ =	swait.ge [sflag:s19], $0x4000  }
0x107: {  	[sflag:s19] =	ssyncset.done $0x0  }
0x108: {  	s8 =	simm.s32 $0x0;
	s9 =	rddreg [dreg:$0x6];
	[sflag:s19] =	ssyncadd.s32 $0xFFFFC000  }
0x109: {  	[tilespmem:s8], [sflag:$0x3] =	stream.linear.gather [hbm4b:s9+s8], $0x1400, $0x38;
	[tilespmem:$0x1E800] =	vst v63  }
0x10a: {  	_ =	swait.ge [sflag:s19], $0x1400  }
0x10b: {  	[sflag:s19] =	ssyncset.done $0x0  }
0x10c: {  	[sflag:s19] =	ssyncadd.s32 $0xFFFFEC00  }
0x10d: {  	[tilespmem:s20], [sflag:$0x3] =	stream.linear.gather [hbm4b:s10+s8], $0x1400, $0x38;
	[tilespmem:$0x1E800] =	vst v63  }
0x10e: {  	_ =	swait.ge [sflag:s19], $0x1400  }
0x10f: {  	[sflag:s19] =	ssyncset.done $0x0  }
0x110: {  	[sflag:s19] =	ssyncadd.s32 $0xFFFFEC00  }
0x111: {  	[tilespmem:s22], [sflag:$0x1] =	stream.indirect.gather [hbm4b:s1+s21], $0x80, s8, s21, $0xb8;
	[tilespmem:$0x1E800] =	vst v63  }
0x112: {  	s4 =	simm.s32 $0x80  }
0x113: {  	[tilespmem:s23], [sflag:$0x2] =	stream.indirect.gather [hbm4b:s1+s21], $0x80, s4, s21, $0xb8;
	[tilespmem:$0x1E800] =	vst v63  }
0x114: {  	_ =	swait.ge [sflag:s26], $0x4000  }
0x115: {  	[sflag:s26] =	ssyncset.done $0x0  }
0x116: {  	s7 =	simm.s32 $0x1400;
	[sflag:s26] =	ssyncadd.s32 $0xFFFFC000  }
0x117: {  	[spmem:s2] =	stream.indirect.scatter.add.f32 [tilespmem:s22], [sflag:$0x3], $0x80, s7, s21, $0xb8;
	[tilespmem:$0x1E800] =	vst v63  }
0x118: {  	_ =	swait.ge [sflag:s19], $0x4000  }
0x119: {  	[sflag:s19] =	ssyncset.done $0x0  }
0x11a: {  	s8 =	simm.s32 $0x100;
	[sflag:s19] =	ssyncadd.s32 $0xFFFFC000  }
0x11b: {  	[tilespmem:s22], [sflag:$0x1] =	stream.indirect.gather [hbm4b:s1+s21], $0x80, s8, s21, $0xb8;
	[tilespmem:$0x1E800] =	vst v63  }
0x11c: {  	_ =	swait.ge [sflag:s28], $0x4000  }
0x11d: {  	[sflag:s28] =	ssyncset.done $0x0  }
0x11e: {  	s9 =	simm.s32 $0x1480;
	[sflag:s28] =	ssyncadd.s32 $0xFFFFC000  }
0x11f: {  	[spmem:s2] =	stream.indirect.scatter.add.f32 [tilespmem:s23], [sflag:$0x3], $0x80, s9, s21, $0xb8;
	[tilespmem:$0x1E800] =	vst v63  }
0x120: {  	_ =	swait.ge [sflag:s19], $0x4000  }
0x121: {  	s0 =	simm.s32 $0x100;
	s4 =	simm.s32 $0x800;
	[sflag:s19] =	ssyncset.done $0x0  }
.LBB2_5:
0x122: {  	s7 =	sadd.s32 $0x80, s0  }
0x123: {  	[sflag:s19] =	ssyncadd.s32 $0xFFFFC000;
	s8 =	smov.u32 s4;
	s9 =	sadd.s32 $0x400, s4  }
0x124: {  	[tilespmem:s23], [sflag:$0x2] =	stream.indirect.gather [hbm4b:s1+s21], $0x80, s7, s21, $0xb8;
	[tilespmem:$0x1E800] =	vst v63  }
0x125: {  	p2 =	seq.s32 s4, $0x4800;
	_ =	swait.ge [sflag:s26], $0x4000  }
0x126: {  	[sflag:s26] =	ssyncset.done $0x0  }
0x127: {  	s4 =	sadd.s32 $0x1400, s0;
	[sflag:s26] =	ssyncadd.s32 $0xFFFFC000  }
0x128: {  	[spmem:s2] =	stream.indirect.scatter.add.f32 [tilespmem:s22], [sflag:$0x3], $0x80, s4, s21, $0xb8;
	[tilespmem:$0x1E800] =	vst v63  }
0x129: {  	_ =	swait.ge [sflag:s19], $0x4000  }
0x12a: {  	[sflag:s19] =	ssyncset.done $0x0  }
0x12b: {  	s4 =	sadd.s32 $0x100, s0;
	[sflag:s19] =	ssyncadd.s32 $0xFFFFC000  }
0x12c: {  	[tilespmem:s22], [sflag:$0x1] =	stream.indirect.gather [hbm4b:s1+s21], $0x80, s4, s21, $0xb8;
	[tilespmem:$0x1E800] =	vst v63  }
0x12d: {  	_ =	swait.ge [sflag:s28], $0x4000  }
.Ltmp7:
0x12e: {  	[sflag:s28] =	ssyncset.done $0x0;
	(pc) =	sbr.rel @!p2 .LBB2_5-.Ltmp7, $4  }
0x12f: {  	s0 =	sadd.s32 $0x1480, s0;
	[sflag:s28] =	ssyncadd.s32 $0xFFFFC000  }
0x130: {  	[spmem:s2] =	stream.indirect.scatter.add.f32 [tilespmem:s23], [sflag:$0x3], $0x80, s0, s21, $0xb8;
	[tilespmem:$0x1E800] =	vst v63  }
0x131: {  	_ =	swait.ge [sflag:s19], $0x4000  }
0x132: {  	s4 =	smov.u32 s9;
	s0 =	sshra.s32 s8, $0x2;
	[sflag:s19] =	ssyncset.done $0x0  }
0x133: {  	s4 =	sadd.s32 $0x80, s0;
	[sflag:s19] =	ssyncadd.s32 $0xFFFFC000  }
0x134: {  	[tilespmem:s23], [sflag:$0x2] =	stream.indirect.gather [hbm4b:s1+s21], $0x80, s4, s21, $0xb8;
	[tilespmem:$0x1E800] =	vst v63  }
0x135: {  	_ =	swait.ge [sflag:s26], $0x4000  }
0x136: {  	[sflag:s26] =	ssyncset.done $0x0  }
0x137: {  	s7 =	sadd.s32 $0x1400, s0;
	[sflag:s26] =	ssyncadd.s32 $0xFFFFC000  }
0x138: {  	[spmem:s2] =	stream.indirect.scatter.add.f32 [tilespmem:s22], [sflag:$0x3], $0x80, s7, s21, $0xb8;
	[tilespmem:$0x1E800] =	vst v63  }
0x139: {  	_ =	swait.ge [sflag:s19], $0x4000  }
0x13a: {  	[sflag:s19] =	ssyncset.done $0x0  }
0x13b: {  	s8 =	sadd.s32 $0x100, s0;
	[sflag:s19] =	ssyncadd.s32 $0xFFFFC000  }
0x13c: {  	[tilespmem:s22], [sflag:$0x1] =	stream.indirect.gather [hbm4b:s1+s21], $0x80, s8, s21, $0xb8;
	[tilespmem:$0x1E800] =	vst v63  }
0x13d: {  	_ =	swait.ge [sflag:s28], $0x4000  }
0x13e: {  	[sflag:s28] =	ssyncset.done $0x0  }
.Ltmp8:
0x13f: {  	s9 =	sadd.s32 $0x1480, s0;
	[sflag:s28] =	ssyncadd.s32 $0xFFFFC000;
	(pc) =	sbr.rel .LBB2_12-.Ltmp8, $4  }
0x140: {  	[spmem:s2] =	stream.indirect.scatter.add.f32 [tilespmem:s23], [sflag:$0x3], $0x80, s9, s21, $0xb8;
	[tilespmem:$0x1E800] =	vst v63  }
0x141: {  	_ =	swait.ge [sflag:s19], $0x4000  }
0x142: {  	[sflag:s19] =	ssyncset.done $0x0  }
0x143: {  	[sflag:s19] =	ssyncadd.s32 $0xFFFFC000  }
.LBB2_13:
0x144: {  	_ =	sfence.sel $0x180000  }
0x145: {  	[bflag:$0x0] =	sbarrier.arrive $0xFFFF  }
0x146: {  	_ =	strace $0x9000004A  }
0x147: {  	s0 =	stileid.u32;
	[bflag:$0x2] =	sbarrier.arrive $0xFFFF  }
0x148: {  	p0 =	sne.s32 s0, $0x0;
	s0 =	rddreg [dreg:$0x3]  }
0x149: {  	s0 =	sadd.s32 @!p0 $0x100000, s0  }
0x14a: {  	[sflag:s0] =	ssyncadd.tile.s32 @!p0 $0x1;
	_ =	shalt  }
.Lfunc_end2:
_tile_overlayer_lowered:
.L_overlay_start_2:
0x14b: {  	(tag) =	ssettag $0x2  }
0x14c: {  	s0 =	rddreg [dreg:$0x0];
	s2 =	stileid.u32  }
0x14d: {  	s1 =	rddreg [dreg:$0x1];
	p0 =	sne.s32 s2, $0x0  }
0x14e: {  	s3 =	rddreg [dreg:$0x2];
	[bflag:$0x3] =	sbarrier.arrive $0xFFFF;
	s2 =	simm.s32 @!p0 $0x1C03  }
0x14f: {  	[timem:s3], [sflag:s2] =	dma.local @!p0 [hbm:s0], s1  }
0x150: {  	s0 =	simm.s32 @!p0 $0x3  }
0x151: {  	_ =	swait.ge @!p0 [sflag:s0], s1  }
0x152: {  	s1 =	ssub.s32 @!p0 $0x0, s1;
	[sflag:s0] =	ssyncset.done @!p0 $0x0  }
0x153: {  	[sflag:s0] =	ssyncadd.s32 @!p0 s1  }
0x154: {  	[bflag:$0x3] =	sbarrier.arrive $0xFFFF  }
0x155: {  	_ =	shalt  }

// kernel: kernel.13.cloned.1.call-start
scs
__scs_entry_jumppad:
0x0: {  	(pc) =	sbr.rel $0x88, $3  }
0x1: {  	(tag) =	ssettag $0x0;
	lr =	simm.s32 $0x1  }
0x2: {  	[smem:$0x3F9C] =	sst lr;
	_ =	strace $0xD0000000  }
0x3: {  	_ = 	snop  }
0x4: {  	_ = 	snop  }
0x5: {  	_ = 	snop  }
0x6: {  	_ = 	snop  }
0x7: {  	_ = 	snop  }
__scs_overlays_trampoline_lowered:
0x8: {  	[smem:$0x3FAB] =	sst s0  }
0x9: {  	[smem:$0x3FAC] =	sst s1  }
0xa: {  	[smem:$0x3FAD] =	sst s2  }
0xb: {  	[smem:$0x3FAE] =	sst s3  }
0xc: {  	[smem:$0x3FAF] =	sst s4  }
0xd: {  	[smem:$0x3FB0] =	sst s5  }
0xe: {  	[smem:$0x3FB1] =	sst s6  }
0xf: {  	[smem:$0x3FB2] =	sst s7  }
0x10: {  	[smem:$0x3FB3] =	sst s8  }
0x11: {  	[smem:$0x3FB4] =	sst s9;
	s0 =	simm.s32 @!p0 $0x0  }
0x12: {  	s1 =	sld [smem:$0x3F9A];
	s0 =	simm.s32 @p0 $0x1  }
0x13: {  	[smem:$0x3FB5] =	sst s0;
	s0 =	simm.s32 @!p1 $0x0  }
0x14: {  	s2 =	sld [smem:$0x3F99];
	s0 =	simm.s32 @p1 $0x1  }
0x15: {  	[smem:$0x3FB6] =	sst s0;
	s0 =	simm.s32 @!p2 $0x0  }
0x16: {  	s3 =	sld [smem:$0x3FDB];
	s0 =	simm.s32 @p2 $0x1  }
0x17: {  	s4 =	simm.s32 $0x1BF5;
	[smem:$0x3FB8] =	sst s0  }
0x18: {  	s0 =	sld [smem:$0x3F9B];
	_ =	swait.ge [sflag:s4], $0x0  }
0x19: {  	s7 =	sld [smem:$0x3F9C]  }
0x1a: {  	s8 =	sadd.s32 $0xFFFFE003, lr  }
0x1b: {  	s9 =	sadd.s32 $0xFFFFFEF7, lr;
	s5 =	simm.s32 $0xFFFFFFFF;
	p2 =	slt.u32 s8, $0xFFFFF086  }
0x1c: {  	p1 =	slt.u32 s9, $0xF7A;
	s5 =	simm.s32 @!p2 $0x0  }
0x1d: {  	s5 =	simm.s32 @p1 $0x1;
	p0 =	seq.s32 s7, s2  }
0x1e: {  	s7 =	smul.u32 @!p0 $0xF7A, s2;
	p2 =	seq.s32 @!p0 s5, $0x0  }
0x1f: {  	s9 =	smul.u32 $0xF7A, s1;
	s8 =	simm.s32 @!p0 $0x1BF5;
	p2 =	por !p2, p0  }
0x20: {  	[sflag:s8] =	ssyncset.s32 @!p0 $0xFFFFF086;
	s6 =	sadd.s32 @!p0 s3, s7;
	s7 =	simm.s32 @!p0 $0x108  }
0x21: {  	s3 =	sadd.s32 s3, s9;
	s6 =	sadd.s32 @!p0 $0x88, s6;
	s7 =	simm.s32 @p2 $0x1082  }
0x22: {  	[simem:s7], [sflag:s8] =	dma.local @!p0 [hbm:s6], $0xF7A  }
0x23: {  	s9 =	sor.u32 $0xD0000000, s2;
	s6 =	simm.s32 $0x108;
	_ =	swait.ge @!p0 [sflag:s8], $0x0  }
0x24: {  	s3 =	sadd.s32 $0x88, s3;
	s6 =	simm.s32 @!p1 $0x1082;
	[sflag:s4] =	ssyncset.s32 $0xFFFFF086  }
0x25: {  	[simem:s6], [sflag:s4] =	dma.local [hbm:s3], $0xF7A  }
0x26: {  	[smem:$0x3F9C] =	sst s1;
	(tag) =	ssettag s2;
	_ =	strace s9  }
0x27: {  	s1 =	sld [smem:$0x3FAC]  }
0x28: {  	s2 =	sld [smem:$0x3FAD]  }
0x29: {  	s4 =	sld [smem:$0x3FAF]  }
0x2a: {  	p0 =	seq.s32 s5, $0x0;
	s5 =	sld [smem:$0x3FB0]  }
0x2b: {  	s6 =	sld [smem:$0x3FB1]  }
0x2c: {  	s7 =	sld [smem:$0x3FB2]  }
0x2d: {  	s3 =	simm.s32 $0x108;
	s8 =	sld [smem:$0x3FB3]  }
0x2e: {  	s3 =	simm.s32 @!p0 $0x1082;
	s9 =	sld [smem:$0x3FB4]  }
0x2f: {  	lr =	sadd.s32 s0, s3;
	s0 =	sld [smem:$0x3FAB]  }
0x30: {  	s3 =	sld [smem:$0x3FAE]  }
0x31: {  	[smem:$0x3FB7] =	sst s10  }
0x32: {  	s10 =	sld [smem:$0x3FB5];
	_ =	sdelay $0x3  }
0x33: {  	p0 =	seq.s32 s10, $0x1;
	s10 =	sld [smem:$0x3FB7];
	_ =	sdelay $0x3  }
0x34: {  	[smem:$0x3FB7] =	sst s10  }
0x35: {  	s10 =	sld [smem:$0x3FB6];
	_ =	sdelay $0x3  }
0x36: {  	p1 =	seq.s32 s10, $0x1;
	s10 =	sld [smem:$0x3FB7];
	_ =	sdelay $0x3  }
0x37: {  	[smem:$0x3FB7] =	sst s10  }
0x38: {  	s10 =	sld [smem:$0x3FB8]  }
0x39: {  	_ = 	snop;
	(pc) =	sbr.ind lr, $3  }
0x3a: {  	_ = 	snop  }
0x3b: {  	_ = 	snop  }
0x3c: {  	p2 =	seq.s32 s10, $0x1;
	s10 =	sld [smem:$0x3FB7]  }
0x3d: {  	_ =	shalt  }
0x3e: {  	_ =	shalt  }
0x3f: {  	_ =	shalt  }
0x40: {  	_ =	shalt  }
0x41: {  	_ =	shalt  }
0x42: {  	_ =	shalt  }
0x43: {  	_ =	shalt  }
0x44: {  	_ =	shalt  }
0x45: {  	_ =	shalt  }
0x46: {  	_ =	shalt  }
0x47: {  	_ =	shalt  }
0x48: {  	_ =	shalt  }
0x49: {  	_ =	shalt  }
0x4a: {  	_ =	shalt  }
0x4b: {  	_ =	shalt  }
0x4c: {  	_ =	shalt  }
0x4d: {  	_ =	shalt  }
0x4e: {  	_ =	shalt  }
0x4f: {  	_ =	shalt  }
0x50: {  	_ =	shalt  }
0x51: {  	_ =	shalt  }
0x52: {  	_ =	shalt  }
0x53: {  	_ =	shalt  }
0x54: {  	_ =	shalt  }
0x55: {  	_ =	shalt  }
0x56: {  	_ =	shalt  }
0x57: {  	_ =	shalt  }
0x58: {  	_ =	shalt  }
0x59: {  	_ =	shalt  }
0x5a: {  	_ =	shalt  }
0x5b: {  	_ =	shalt  }
0x5c: {  	_ =	shalt  }
0x5d: {  	_ =	shalt  }
0x5e: {  	_ =	shalt  }
0x5f: {  	_ =	shalt  }
0x60: {  	_ =	shalt  }
0x61: {  	_ =	shalt  }
0x62: {  	_ =	shalt  }
0x63: {  	_ =	shalt  }
0x64: {  	_ =	shalt  }
0x65: {  	_ =	shalt  }
0x66: {  	_ =	shalt  }
0x67: {  	_ =	shalt  }
0x68: {  	_ =	shalt  }
0x69: {  	_ =	shalt  }
0x6a: {  	_ =	shalt  }
0x6b: {  	_ =	shalt  }
0x6c: {  	_ =	shalt  }
0x6d: {  	_ =	shalt  }
0x6e: {  	_ =	shalt  }
0x6f: {  	_ =	shalt  }
0x70: {  	_ =	shalt  }
0x71: {  	_ =	shalt  }
0x72: {  	_ =	shalt  }
0x73: {  	_ =	shalt  }
0x74: {  	_ =	shalt  }
0x75: {  	_ =	shalt  }
0x76: {  	_ =	shalt  }
0x77: {  	_ =	shalt  }
0x78: {  	_ =	shalt  }
0x79: {  	_ =	shalt  }
0x7a: {  	_ =	shalt  }
0x7b: {  	_ =	shalt  }
0x7c: {  	_ =	shalt  }
0x7d: {  	_ =	shalt  }
0x7e: {  	_ =	shalt  }
0x7f: {  	_ =	shalt  }
0x80: {  	_ =	shalt  }
0x81: {  	_ =	shalt  }
0x82: {  	_ =	shalt  }
0x83: {  	_ =	shalt  }
0x84: {  	_ =	shalt  }
0x85: {  	_ =	shalt  }
0x86: {  	_ =	shalt  }
0x87: {  	_ =	shalt  }
.Lfunc_end0:
.L_simem_size_0:
called_computation.2_lowered:
.L_overlay_start_0:
0x88: {  	s2 =	sld [smem:$0x3FD9]  }
0x89: {  	s3 =	sld [smem:$0x3FFE];
	_ =	sdelay $0x1  }
0x8a: {  	s1 =	srdreg.scid  }
0x8b: {  	s0 =	sand.u32 $0x1, s1  }
0x8c: {  	s17 =	sshll.u32 s0, $0xA;
	s2 =	sadd.s32 s3, s2  }
0x8d: {  	s2 =	sadd.s32 s2, s17  }
0x8e: {  	[smem:$0x3FC3] =	sst s2  }
0x8f: {  	_ = 	snop  }
0x90: {  	s2 =	sld [smem:$0x3FD0];
	(tm) =	ssettm $0x1  }
0x91: {  	s18 =	sld [smem:$0x3FFB];
	_ =	sdelay $0x3  }
0x92: {  	_ =	strace s18  }
0x93: {  	s3 =	sld [smem:$0x3FFC];
	_ =	sdelay $0x3  }
0x94: {  	_ =	strace s3  }
0x95: {  	s3 =	sld [smem:$0x3FFD];
	_ =	sdelay $0x3  }
0x96: {  	_ =	strace s3  }
0x97: {  	_ =	strace $0x8FFFFFFF  }
0x98: {  	s19 =	sld [smem:$0x3FDB];
	_ =	sdelay $0x1  }
0x99: {  	s4 =	simm.s32 $_scs_section_size  }
0x9a: {  	s5 =	simm.s32 $_size__tile_overlayer_lowered;
	s6 =	simm.s32 $_tile_overlayer_lowered  }
0x9b: {  	s22 =	simm.s32 $0x1BFF;
	s21 =	sshll.u32 s6, $0x1;
	s3 =	sadd.s32 s4, s19  }
0x9c: {  	s7 =	simm.s32 $0x0;
	s20 =	sshll.u32 s5, $0x1;
	s5 =	sadd.s32 s21, s3  }
0x9d: {  	[timem:s7], [sflag:s22] =	dma.local [hbm:s5], s20  }
0x9e: {  	_ =	swait.ge [sflag:s22], s20  }
0x9f: {  	s4 =	ssub.s32 $0x0, s20;
	[sflag:s22] =	ssyncset.done $0x0  }
0xa0: {  	[sflag:s22] =	ssyncadd.s32 s4;
	_ =	sdelay $0x1  }
0xa1: {  	s23 =	simm.s32 $0x1B8B  }
0xa2: {  	_ =	swait.ge [sflag:s23], $0x1  }
0xa3: {  	[sflag:s23] =	ssyncset.done $0x0  }
0xa4: {  	s25 =	simm.s32 $0x1B8E;
	s24 =	sld [smem:$0x3FFE];
	[sflag:s23] =	ssyncadd.s32 $0xFFFFFFFF  }
0xa5: {  	s26 =	simm.s32 $execute0_lowered;
	[smem:$0x3FD2] =	sst s25  }
0xa6: {  	s5 =	sshll.u32 s26, $0x1;
	_ =	strace $0x8000004C;
	[dreg:$0x1] =	wrdreg $0xFFFFFFFF  }
0xa7: {  	s28 =	simm.s32 $_size_execute0_lowered;
	s3 =	sadd.s32 s3, s5;
	[dreg:$0x0] =	wrdreg $0x0  }
0xa8: {  	s5 =	sshll.u32 s28, $0x1;
	[dreg:$0x2] =	wrdreg s3  }
0xa9: {  	[dreg:$0x3] =	wrdreg s5  }
0xaa: {  	[dreg:$0x4] =	wrdreg $0xC0  }
0xab: {  	_ =	task [dreg:s7], $0x5FFFF  }
0xac: {  	[dreg:$0x1] =	wrdreg $0xFFFFFFFF  }
0xad: {  	[dreg:$0x0] =	wrdreg $0x60  }
0xae: {  	[dreg:$0x2] =	wrdreg s2  }
0xaf: {  	[dreg:$0x3] =	wrdreg s24  }
0xb0: {  	[dreg:$0x4] =	wrdreg $0x9  }
0xb1: {  	_ =	task.clear_ibuf [dreg:s7], $0x5FFFF;
	_ =	strace $0x9000004C  }
0xb2: {  	s29 =	simm.s32 $0x9;
	_ =	strace $0x8000004E  }
0xb3: {  	_ =	swait.ge [sflag:s29], $0x1  }
0xb4: {  	[sflag:s29] =	ssyncadd.s32 $0xFFFFFFFF  }
0xb5: {  	_ =	strace $0x9000004E  }
0xb6: {  	_ =	sfence  }
0xb7: {  	s30 =	sld [smem:$0x0];
	_ =	sdelay $0x2  }
0xb8: {  	s31 =	sshll.u32 s1, $0xD;
	s1 =	sshrl.u32 s1, $0x2  }
0xb9: {  	s3 =	sand.u32 $0x4000, s31;
	s1 =	sadd.s32 s1, s30  }
0xba: {  	s0 =	sor.u32 s3, s0;
	s1 =	sshll.u32 s1, $0x11  }
0xbb: {  	s0 =	sor.u32 s1, s0  }
0xbc: {  	s0 =	sadd.s32 $0x8F2B, s0  }
0xbd: {  	[sflag:s0] =	ssyncadd.remote.s32 $0x1  }
0xbe: {  	_ =	sfence.sel $0xFFFF  }
0xbf: {  	[dreg:$0x0] =	wrdreg $0xFFFFFFFF;
	(pc) =	sbr.abs _section_cstart, $3  }
0xc0: {  	[dreg:$0x1] =	wrdreg $0xFFFFFFFF  }
0xc1: {  	_ =	task.clear_ibuf [dreg:s7], $0x2FFFF;
	_ =	strace $0x9FFFFFFF  }
0xc2: {  	(tm) =	ssettm $0x7FFFFFFF  }
0xc3: {  	_ =	shalt  }
tec
execute0_lowered:
.L_overlay_start_1:
0x0: {  	(tag) =	ssettag $0x1  }
0x1: {  	s0 =	srdreg.scid  }
0x2: {  	s15 =	sand.u32 $0x1, s0  }
0x3: {  	s2 =	rddreg [dreg:$0x0];
	s0 =	stileid.u32;
	s1 =	sshll.u32 s15, $0x4  }
0x4: {  	s12 =	rddreg [dreg:$0x1];
	s3 =	simm.s32 $0x0;
	s13 =	sor.u32 s0, s1  }
0x5: {  	[smem:$0x7FF] =	sst s3;
	s4 =	sshll.u32 s13, $0x6  }
0x6: {  	s1 =	rddreg [dreg:$0x2];
	s4 =	sadd.s32 s4, s12  }
0x7: {  	_ =	strace $0x8000004D;
	s5 =	sadd.s32 $0x66C00, s4;
	s4 =	simm.s32 $0x4  }
0x8: {  	[tilespmem:s3], [sflag:$0x4] =	stream.linear.gather [hbm4b:s5+s3], $0x180, $0x38;
	[tilespmem:$0xC200] =	vst v63  }
0x9: {  	_ =	swait.ge [sflag:s4], $0x180  }
0xa: {  	[sflag:s4] =	ssyncset.done $0x0  }
0xb: {  	s6 =	simm.s32 $0x80;
	s7 =	simm.s32 $0x200;
	[sflag:s4] =	ssyncadd.s32 $0xFFFFFE80  }
0xc: {  	[tilespmem:s7], [sflag:$0x1] =	stream.indirect.gather [hbm4b:s2+s6], $0x80, s3, s6, $0xb8;
	[tilespmem:$0xC200] =	vst v63  }
0xd: {  	s8 =	simm.s32 $0x4200  }
0xe: {  	[tilespmem:s8], [sflag:$0x2] =	stream.indirect.gather [hbm4b:s2+s6], $0x80, s6, s6, $0xb8;
	[tilespmem:$0xC200] =	vst v63  }
0xf: {  	s9 =	simm.s32 $0x100;
	s10 =	simm.s32 $0x8200;
	s11 =	simm.s32 $0x1  }
0x10: {  	[tilespmem:s10], [sflag:$0x3] =	stream.indirect.gather [hbm4b:s2+s6], $0x80, s9, s6, $0xb8;
	[tilespmem:$0xC200] =	vst v63  }
0x11: {  	s14 =	smul.u32 $0x1800, s13;
	_ =	swait.ge [sflag:s11], $0x4000  }
0x12: {  	s16 =	sadd.s32 $0x2200, s12;
	[sflag:s11] =	ssyncset.done $0x0  }
0x13: {  	s12 =	sadd.s32 s16, s14;
	[sflag:s11] =	ssyncadd.s32 $0xFFFFC000  }
0x14: {  	[hbm4b:s12+s3] =	stream.linear.scatter [tilespmem:s7], [sflag:$0x4], $0x4000, $0x38;
	[tilespmem:$0xC200] =	vst v63  }
0x15: {  	_ =	swait.ge [sflag:s4], $0x4000  }
0x16: {  	s31 =	smul.u32 $0xC000, s13;
	[sflag:s4] =	ssyncset.done $0x0  }
0x17: {  	s13 =	simm.s32 $0x2;
	[sflag:s4] =	ssyncadd.s32 $0xFFFFC000  }
0x18: {  	s14 =	sshrl.u32 s31, $0x3;
	_ =	swait.ge [sflag:s13], $0x4000  }
0x19: {  	s16 =	sadd.s32 s16, s14;
	[sflag:s13] =	ssyncset.done $0x0  }
0x1a: {  	s17 =	ssub.s32 $0x2, s15;
	s14 =	sadd.s32 $0x800, s16;
	[sflag:s13] =	ssyncadd.s32 $0xFFFFC000  }
0x1b: {  	[hbm4b:s14+s3] =	stream.linear.scatter [tilespmem:s8], [sflag:$0x4], $0x4000, $0x38;
	[tilespmem:$0xC200] =	vst v63  }
0x1c: {  	s18 =	sshrl.u32 s17, $0x1;
	_ =	swait.ge [sflag:s4], $0x4000  }
0x1d: {  	s17 =	ssub.s32 s17, s18;
	[sflag:s4] =	ssyncset.done $0x0  }
0x1e: {  	s15 =	simm.s32 $0x3;
	s17 =	smax.u32 s17, $0x1;
	[sflag:s4] =	ssyncadd.s32 $0xFFFFC000  }
0x1f: {  	p0 =	sne.s32 s17, $0x1;
	_ =	swait.ge [sflag:s15], $0x4000  }
.Ltmp0:
0x20: {  	[sflag:s15] =	ssyncset.done $0x0;
	(pc) =	sbr.rel @!p0 .LBB2_2-.Ltmp0, $4  }
0x21: {  	s16 =	sadd.s32 $0x1000, s16;
	[sflag:s15] =	ssyncadd.s32 $0xFFFFC000  }
0x22: {  	[hbm4b:s16+s3] =	stream.linear.scatter [tilespmem:s10], [sflag:$0x4], $0x4000, $0x38;
	[tilespmem:$0xC200] =	vst v63  }
0x23: {  	_ =	swait.ge [sflag:s4], $0x4000  }
0x24: {  	s17 =	sadd.s32 $0xFFFFFFFF, s17;
	[sflag:s4] =	ssyncset.done $0x0  }
.LBB2_1:
0x25: {  	p0 =	sne.s32 s17, $0x1;
	s17 =	sadd.s32 $0xFFFFFFFF, s17;
	[sflag:s4] =	ssyncadd.s32 $0xFFFFC000  }
0x26: {  	[tilespmem:s3], [sflag:$0x4] =	stream.linear.gather [hbm4b:s5+s3], $0x180, $0x38;
	[tilespmem:$0xC200] =	vst v63  }
0x27: {  	_ =	swait.ge [sflag:s4], $0x180  }
0x28: {  	[sflag:s4] =	ssyncset.done $0x0  }
0x29: {  	[sflag:s4] =	ssyncadd.s32 $0xFFFFFE80  }
0x2a: {  	[tilespmem:s7], [sflag:$0x1] =	stream.indirect.gather [hbm4b:s2+s6], $0x80, s3, s6, $0xb8;
	[tilespmem:$0xC200] =	vst v63  }
0x2b: {  	_ = 	snop  }
0x2c: {  	[tilespmem:s8], [sflag:$0x2] =	stream.indirect.gather [hbm4b:s2+s6], $0x80, s6, s6, $0xb8;
	[tilespmem:$0xC200] =	vst v63  }
0x2d: {  	_ = 	snop  }
0x2e: {  	[tilespmem:s10], [sflag:$0x3] =	stream.indirect.gather [hbm4b:s2+s6], $0x80, s9, s6, $0xb8;
	[tilespmem:$0xC200] =	vst v63  }
0x2f: {  	_ =	swait.ge [sflag:s11], $0x4000  }
0x30: {  	[sflag:s11] =	ssyncset.done $0x0  }
0x31: {  	[sflag:s11] =	ssyncadd.s32 $0xFFFFC000  }
0x32: {  	[hbm4b:s12+s3] =	stream.linear.scatter [tilespmem:s7], [sflag:$0x4], $0x4000, $0x38;
	[tilespmem:$0xC200] =	vst v63  }
0x33: {  	_ =	swait.ge [sflag:s4], $0x4000  }
0x34: {  	[sflag:s4] =	ssyncset.done $0x0  }
0x35: {  	[sflag:s4] =	ssyncadd.s32 $0xFFFFC000  }
0x36: {  	_ =	swait.ge [sflag:s13], $0x4000  }
0x37: {  	[sflag:s13] =	ssyncset.done $0x0  }
0x38: {  	[sflag:s13] =	ssyncadd.s32 $0xFFFFC000  }
0x39: {  	[hbm4b:s14+s3] =	stream.linear.scatter [tilespmem:s8], [sflag:$0x4], $0x4000, $0x38;
	[tilespmem:$0xC200] =	vst v63  }
0x3a: {  	_ =	swait.ge [sflag:s4], $0x4000  }
0x3b: {  	[sflag:s4] =	ssyncset.done $0x0  }
0x3c: {  	[sflag:s4] =	ssyncadd.s32 $0xFFFFC000  }
0x3d: {  	_ =	swait.ge [sflag:s15], $0x4000  }
.Ltmp1:
0x3e: {  	[sflag:s15] =	ssyncset.done $0x0;
	(pc) =	sbr.rel @p0 .LBB2_1-.Ltmp1, $4  }
0x3f: {  	[sflag:s15] =	ssyncadd.s32 $0xFFFFC000  }
0x40: {  	[hbm4b:s16+s3] =	stream.linear.scatter [tilespmem:s10], [sflag:$0x4], $0x4000, $0x38;
	[tilespmem:$0xC200] =	vst v63  }
0x41: {  	_ =	swait.ge [sflag:s4], $0x4000  }
0x42: {  	[sflag:s4] =	ssyncset.done $0x0  }
.LBB2_2:
0x43: {  	[sflag:s4] =	ssyncadd.s32 $0xFFFFC000  }
0x44: {  	_ =	sfence.sel $0x180000  }
0x45: {  	[bflag:$0x0] =	sbarrier.arrive $0xFFFF  }
0x46: {  	p0 =	sne.s32 s0, $0x0;
	_ =	strace $0x9000004D  }
0x47: {  	s0 =	sadd.s32 @!p0 $0x100000, s1;
	[bflag:$0x2] =	sbarrier.arrive $0xFFFF  }
0x48: {  	[sflag:s0] =	ssyncadd.tile.s32 @!p0 $0x1;
	_ =	shalt  }
.Lfunc_end2:
_tile_overlayer_lowered:
.L_overlay_start_2:
0x49: {  	(tag) =	ssettag $0x2  }
0x4a: {  	s0 =	rddreg [dreg:$0x0];
	s2 =	stileid.u32  }
0x4b: {  	s1 =	rddreg [dreg:$0x1];
	p0 =	sne.s32 s2, $0x0  }
0x4c: {  	s3 =	rddreg [dreg:$0x2];
	[bflag:$0x3] =	sbarrier.arrive $0xFFFF;
	s2 =	simm.s32 @!p0 $0x1C04  }
0x4d: {  	[timem:s3], [sflag:s2] =	dma.local @!p0 [hbm:s0], s1  }
0x4e: {  	s0 =	simm.s32 @!p0 $0x4  }
0x4f: {  	_ =	swait.ge @!p0 [sflag:s0], s1  }
0x50: {  	s1 =	ssub.s32 @!p0 $0x0, s1;
	[sflag:s0] =	ssyncset.done @!p0 $0x0  }
0x51: {  	[sflag:s0] =	ssyncadd.s32 @!p0 s1  }
0x52: {  	[bflag:$0x3] =	sbarrier.arrive $0xFFFF  }
0x53: {  	_ =	shalt  }

// kernel: kernel.7.cloned.1.call-start
scs
__scs_entry_jumppad:
0x0: {  	(pc) =	sbr.rel $0x88, $3  }
0x1: {  	(tag) =	ssettag $0x0;
	lr =	simm.s32 $0x1  }
0x2: {  	[smem:$0x3F9C] =	sst lr;
	_ =	strace $0xD0000000  }
0x3: {  	_ = 	snop  }
0x4: {  	_ = 	snop  }
0x5: {  	_ = 	snop  }
0x6: {  	_ = 	snop  }
0x7: {  	_ = 	snop  }
__scs_overlays_trampoline_lowered:
0x8: {  	[smem:$0x3FAB] =	sst s0  }
0x9: {  	[smem:$0x3FAC] =	sst s1  }
0xa: {  	[smem:$0x3FAD] =	sst s2  }
0xb: {  	[smem:$0x3FAE] =	sst s3  }
0xc: {  	[smem:$0x3FAF] =	sst s4  }
0xd: {  	[smem:$0x3FB0] =	sst s5  }
0xe: {  	[smem:$0x3FB1] =	sst s6  }
0xf: {  	[smem:$0x3FB2] =	sst s7  }
0x10: {  	[smem:$0x3FB3] =	sst s8  }
0x11: {  	[smem:$0x3FB4] =	sst s9;
	s0 =	simm.s32 @!p0 $0x0  }
0x12: {  	s1 =	sld [smem:$0x3F9A];
	s0 =	simm.s32 @p0 $0x1  }
0x13: {  	[smem:$0x3FB5] =	sst s0;
	s0 =	simm.s32 @!p1 $0x0  }
0x14: {  	s2 =	sld [smem:$0x3F99];
	s0 =	simm.s32 @p1 $0x1  }
0x15: {  	[smem:$0x3FB6] =	sst s0;
	s0 =	simm.s32 @!p2 $0x0  }
0x16: {  	s3 =	sld [smem:$0x3FDB];
	s0 =	simm.s32 @p2 $0x1  }
0x17: {  	s4 =	simm.s32 $0x1BF5;
	[smem:$0x3FB8] =	sst s0  }
0x18: {  	s0 =	sld [smem:$0x3F9B];
	_ =	swait.ge [sflag:s4], $0x0  }
0x19: {  	s7 =	sld [smem:$0x3F9C]  }
0x1a: {  	s8 =	sadd.s32 $0xFFFFE003, lr  }
0x1b: {  	s9 =	sadd.s32 $0xFFFFFEF7, lr;
	s5 =	simm.s32 $0xFFFFFFFF;
	p2 =	slt.u32 s8, $0xFFFFF086  }
0x1c: {  	p1 =	slt.u32 s9, $0xF7A;
	s5 =	simm.s32 @!p2 $0x0  }
0x1d: {  	s5 =	simm.s32 @p1 $0x1;
	p0 =	seq.s32 s7, s2  }
0x1e: {  	s7 =	smul.u32 @!p0 $0xF7A, s2;
	p2 =	seq.s32 @!p0 s5, $0x0  }
0x1f: {  	s9 =	smul.u32 $0xF7A, s1;
	s8 =	simm.s32 @!p0 $0x1BF5;
	p2 =	por !p2, p0  }
0x20: {  	[sflag:s8] =	ssyncset.s32 @!p0 $0xFFFFF086;
	s6 =	sadd.s32 @!p0 s3, s7;
	s7 =	simm.s32 @!p0 $0x108  }
0x21: {  	s3 =	sadd.s32 s3, s9;
	s6 =	sadd.s32 @!p0 $0x88, s6;
	s7 =	simm.s32 @p2 $0x1082  }
0x22: {  	[simem:s7], [sflag:s8] =	dma.local @!p0 [hbm:s6], $0xF7A  }
0x23: {  	s9 =	sor.u32 $0xD0000000, s2;
	s6 =	simm.s32 $0x108;
	_ =	swait.ge @!p0 [sflag:s8], $0x0  }
0x24: {  	s3 =	sadd.s32 $0x88, s3;
	s6 =	simm.s32 @!p1 $0x1082;
	[sflag:s4] =	ssyncset.s32 $0xFFFFF086  }
0x25: {  	[simem:s6], [sflag:s4] =	dma.local [hbm:s3], $0xF7A  }
0x26: {  	[smem:$0x3F9C] =	sst s1;
	(tag) =	ssettag s2;
	_ =	strace s9  }
0x27: {  	s1 =	sld [smem:$0x3FAC]  }
0x28: {  	s2 =	sld [smem:$0x3FAD]  }
0x29: {  	s4 =	sld [smem:$0x3FAF]  }
0x2a: {  	p0 =	seq.s32 s5, $0x0;
	s5 =	sld [smem:$0x3FB0]  }
0x2b: {  	s6 =	sld [smem:$0x3FB1]  }
0x2c: {  	s7 =	sld [smem:$0x3FB2]  }
0x2d: {  	s3 =	simm.s32 $0x108;
	s8 =	sld [smem:$0x3FB3]  }
0x2e: {  	s3 =	simm.s32 @!p0 $0x1082;
	s9 =	sld [smem:$0x3FB4]  }
0x2f: {  	lr =	sadd.s32 s0, s3;
	s0 =	sld [smem:$0x3FAB]  }
0x30: {  	s3 =	sld [smem:$0x3FAE]  }
0x31: {  	[smem:$0x3FB7] =	sst s10  }
0x32: {  	s10 =	sld [smem:$0x3FB5];
	_ =	sdelay $0x3  }
0x33: {  	p0 =	seq.s32 s10, $0x1;
	s10 =	sld [smem:$0x3FB7];
	_ =	sdelay $0x3  }
0x34: {  	[smem:$0x3FB7] =	sst s10  }
0x35: {  	s10 =	sld [smem:$0x3FB6];
	_ =	sdelay $0x3  }
0x36: {  	p1 =	seq.s32 s10, $0x1;
	s10 =	sld [smem:$0x3FB7];
	_ =	sdelay $0x3  }
0x37: {  	[smem:$0x3FB7] =	sst s10  }
0x38: {  	s10 =	sld [smem:$0x3FB8]  }
0x39: {  	_ = 	snop;
	(pc) =	sbr.ind lr, $3  }
0x3a: {  	_ = 	snop  }
0x3b: {  	_ = 	snop  }
0x3c: {  	p2 =	seq.s32 s10, $0x1;
	s10 =	sld [smem:$0x3FB7]  }
0x3d: {  	_ =	shalt  }
0x3e: {  	_ =	shalt  }
0x3f: {  	_ =	shalt  }
0x40: {  	_ =	shalt  }
0x41: {  	_ =	shalt  }
0x42: {  	_ =	shalt  }
0x43: {  	_ =	shalt  }
0x44: {  	_ =	shalt  }
0x45: {  	_ =	shalt  }
0x46: {  	_ =	shalt  }
0x47: {  	_ =	shalt  }
0x48: {  	_ =	shalt  }
0x49: {  	_ =	shalt  }
0x4a: {  	_ =	shalt  }
0x4b: {  	_ =	shalt  }
0x4c: {  	_ =	shalt  }
0x4d: {  	_ =	shalt  }
0x4e: {  	_ =	shalt  }
0x4f: {  	_ =	shalt  }
0x50: {  	_ =	shalt  }
0x51: {  	_ =	shalt  }
0x52: {  	_ =	shalt  }
0x53: {  	_ =	shalt  }
0x54: {  	_ =	shalt  }
0x55: {  	_ =	shalt  }
0x56: {  	_ =	shalt  }
0x57: {  	_ =	shalt  }
0x58: {  	_ =	shalt  }
0x59: {  	_ =	shalt  }
0x5a: {  	_ =	shalt  }
0x5b: {  	_ =	shalt  }
0x5c: {  	_ =	shalt  }
0x5d: {  	_ =	shalt  }
0x5e: {  	_ =	shalt  }
0x5f: {  	_ =	shalt  }
0x60: {  	_ =	shalt  }
0x61: {  	_ =	shalt  }
0x62: {  	_ =	shalt  }
0x63: {  	_ =	shalt  }
0x64: {  	_ =	shalt  }
0x65: {  	_ =	shalt  }
0x66: {  	_ =	shalt  }
0x67: {  	_ =	shalt  }
0x68: {  	_ =	shalt  }
0x69: {  	_ =	shalt  }
0x6a: {  	_ =	shalt  }
0x6b: {  	_ =	shalt  }
0x6c: {  	_ =	shalt  }
0x6d: {  	_ =	shalt  }
0x6e: {  	_ =	shalt  }
0x6f: {  	_ =	shalt  }
0x70: {  	_ =	shalt  }
0x71: {  	_ =	shalt  }
0x72: {  	_ =	shalt  }
0x73: {  	_ =	shalt  }
0x74: {  	_ =	shalt  }
0x75: {  	_ =	shalt  }
0x76: {  	_ =	shalt  }
0x77: {  	_ =	shalt  }
0x78: {  	_ =	shalt  }
0x79: {  	_ =	shalt  }
0x7a: {  	_ =	shalt  }
0x7b: {  	_ =	shalt  }
0x7c: {  	_ =	shalt  }
0x7d: {  	_ =	shalt  }
0x7e: {  	_ =	shalt  }
0x7f: {  	_ =	shalt  }
0x80: {  	_ =	shalt  }
0x81: {  	_ =	shalt  }
0x82: {  	_ =	shalt  }
0x83: {  	_ =	shalt  }
0x84: {  	_ =	shalt  }
0x85: {  	_ =	shalt  }
0x86: {  	_ =	shalt  }
0x87: {  	_ =	shalt  }
.Lfunc_end0:
.L_simem_size_0:
called_computation_lowered:
.L_overlay_start_0:
0x88: {  	s2 =	sld [smem:$0x3FD9]  }
0x89: {  	s3 =	sld [smem:$0x3FFE];
	_ =	sdelay $0x1  }
0x8a: {  	s1 =	srdreg.scid  }
0x8b: {  	s0 =	sand.u32 $0x1, s1  }
0x8c: {  	s17 =	sshll.u32 s0, $0xA;
	s2 =	sadd.s32 s3, s2  }
0x8d: {  	s2 =	sadd.s32 s2, s17  }
0x8e: {  	[smem:$0x3FC3] =	sst s2  }
0x8f: {  	_ = 	snop  }
0x90: {  	s2 =	sld [smem:$0x3FD0];
	(tm) =	ssettm $0x1  }
0x91: {  	s18 =	sld [smem:$0x3FFB];
	_ =	sdelay $0x3  }
0x92: {  	_ =	strace s18  }
0x93: {  	s3 =	sld [smem:$0x3FFC];
	_ =	sdelay $0x3  }
0x94: {  	_ =	strace s3  }
0x95: {  	s3 =	sld [smem:$0x3FFD];
	_ =	sdelay $0x3  }
0x96: {  	_ =	strace s3  }
0x97: {  	_ =	strace $0x8FFFFFFF  }
0x98: {  	s19 =	sld [smem:$0x3FDB];
	_ =	sdelay $0x1  }
0x99: {  	s4 =	simm.s32 $_scs_section_size  }
0x9a: {  	s5 =	simm.s32 $_size__tile_overlayer_lowered;
	s6 =	simm.s32 $_tile_overlayer_lowered  }
0x9b: {  	s22 =	simm.s32 $0x1BFF;
	s21 =	sshll.u32 s6, $0x1;
	s3 =	sadd.s32 s4, s19  }
0x9c: {  	s7 =	simm.s32 $0x0;
	s20 =	sshll.u32 s5, $0x1;
	s5 =	sadd.s32 s21, s3  }
0x9d: {  	[timem:s7], [sflag:s22] =	dma.local [hbm:s5], s20  }
0x9e: {  	_ =	swait.ge [sflag:s22], s20  }
0x9f: {  	s4 =	ssub.s32 $0x0, s20;
	[sflag:s22] =	ssyncset.done $0x0  }
0xa0: {  	[sflag:s22] =	ssyncadd.s32 s4;
	_ =	sdelay $0x1  }
0xa1: {  	s23 =	simm.s32 $0x1B8B  }
0xa2: {  	_ =	swait.ge [sflag:s23], $0x1  }
0xa3: {  	[sflag:s23] =	ssyncset.done $0x0  }
0xa4: {  	s25 =	simm.s32 $0x1B8E;
	s24 =	sld [smem:$0x3FFE];
	[sflag:s23] =	ssyncadd.s32 $0xFFFFFFFF  }
0xa5: {  	s26 =	simm.s32 $execute0_lowered;
	[smem:$0x3FD2] =	sst s25  }
0xa6: {  	s5 =	sshll.u32 s26, $0x1;
	_ =	strace $0x80000046;
	[dreg:$0x1] =	wrdreg $0xFFFFFFFF  }
0xa7: {  	s28 =	simm.s32 $_size_execute0_lowered;
	s3 =	sadd.s32 s3, s5;
	[dreg:$0x0] =	wrdreg $0x0  }
0xa8: {  	s5 =	sshll.u32 s28, $0x1;
	[dreg:$0x2] =	wrdreg s3  }
0xa9: {  	[dreg:$0x3] =	wrdreg s5  }
0xaa: {  	[dreg:$0x4] =	wrdreg $0xC0  }
0xab: {  	_ =	task [dreg:s7], $0x5FFFF  }
0xac: {  	[dreg:$0x1] =	wrdreg $0xFFFFFFFF  }
0xad: {  	[dreg:$0x0] =	wrdreg $0x60  }
0xae: {  	[dreg:$0x2] =	wrdreg s24  }
0xaf: {  	[dreg:$0x3] =	wrdreg s2  }
0xb0: {  	[dreg:$0x4] =	wrdreg $0x9  }
0xb1: {  	_ =	task.clear_ibuf [dreg:s7], $0x5FFFF;
	_ =	strace $0x90000046  }
0xb2: {  	s29 =	simm.s32 $0x9;
	_ =	strace $0x80000048  }
0xb3: {  	_ =	swait.ge [sflag:s29], $0x1  }
0xb4: {  	[sflag:s29] =	ssyncadd.s32 $0xFFFFFFFF  }
0xb5: {  	_ =	strace $0x90000048  }
0xb6: {  	_ =	sfence  }
0xb7: {  	s30 =	sld [smem:$0x0];
	_ =	sdelay $0x2  }
0xb8: {  	s31 =	sshll.u32 s1, $0xD;
	s1 =	sshrl.u32 s1, $0x2  }
0xb9: {  	s3 =	sand.u32 $0x4000, s31;
	s1 =	sadd.s32 s1, s30  }
0xba: {  	s0 =	sor.u32 s3, s0;
	s1 =	sshll.u32 s1, $0x11  }
0xbb: {  	s0 =	sor.u32 s1, s0  }
0xbc: {  	s0 =	sadd.s32 $0x8F2B, s0  }
0xbd: {  	[sflag:s0] =	ssyncadd.remote.s32 $0x1  }
0xbe: {  	_ =	sfence.sel $0xFFFF  }
0xbf: {  	[dreg:$0x0] =	wrdreg $0xFFFFFFFF;
	(pc) =	sbr.abs _section_cstart, $3  }
0xc0: {  	[dreg:$0x1] =	wrdreg $0xFFFFFFFF  }
0xc1: {  	_ =	task.clear_ibuf [dreg:s7], $0x2FFFF;
	_ =	strace $0x9FFFFFFF  }
0xc2: {  	(tm) =	ssettm $0x7FFFFFFF  }
0xc3: {  	_ =	shalt  }
tec
execute0_lowered:
.L_overlay_start_1:
0x0: {  	(tag) =	ssettag $0x1  }
0x1: {  	s0 =	srdreg.scid;
	s3 =	rddreg [dreg:$0x0]  }
0x2: {  	s5 =	rddreg [dreg:$0x1];
	s4 =	sand.u32 $0x1, s0  }
0x3: {  	s1 =	stileid.u32;
	s8 =	simm.s32 $0x0;
	s2 =	sshll.u32 s4, $0x4  }
0x4: {  	s4 =	ssub.s32 $0x2, s4;
	s6 =	sor.u32 s1, s2;
	s2 =	simm.s32 $0x0  }
0x5: {  	s7 =	sshrl.u32 s4, $0x1;
	s6 =	smul.u32 $0x500, s6;
	[smem:$0x7FF] =	sst s2  }
0x6: {  	s0 =	rddreg [dreg:$0x2];
	s7 =	ssub.s32 s4, s7;
	_ =	strace $0x80000047  }
0x7: {  	s3 =	sadd.s32 s6, s3;
	s4 =	sadd.s32 s5, s6;
	s5 =	smax.u32 s7, $0x1  }
0x8: {  	v0 =	vimm.f32 $0.0e+00;
	v1 =	vimm.f32 $1.000000000e+00;
	s6 =	simm.s32 $0x1;
	s7 =	simm.s32 $0x2800;
	s3 =	sadd.s32 $0xC200, s3  }
.LBB2_1:
0x9: {  	s9 =	simm.s32 $0x40;
	s10 =	simm.s32 $0x0  }
.LBB2_2:
0xa: {  	p0 =	sne.s32 s9, $0x9FC0;
	[tilespmem:s10+$0x2800] =	vst v0;
	s10 =	smov.u32 s9;
	s9 =	sadd.s32 $0x40, s9  }
.Ltmp0:
0xb: {  	(pc) =	sbr.rel @p0 .LBB2_2-.Ltmp0, $2  }
0xc: {  	_ =	sdelay $0x2  }
0xd: {  	s10 =	sshra.s32 s10, $0x2  }
0xe: {  	[tilespmem:s10+$0x2800] =	vst v0;
	s9 =	simm.s32 $0x0  }
0xf: {  	[tilespmem:s9], [sflag:$0x1] =	stream.linear.gather [hbm4b:s3+s9], $0x2800, $0x38;
	[tilespmem:$0x5000] =	vst v63  }
0x10: {  	_ =	swait.ge [sflag:s6], $0x2800  }
0x11: {  	[sflag:s6] =	ssyncset.done $0x0  }
0x12: {  	[sflag:s6] =	ssyncadd.s32 $0xFFFFD800  }
.LBB2_4:
0x13: {  	s10 =	sshra.s32 s9, $0x2  }
0x14: {  	v2 =	vld [tilespmem:s10+$0x0];
	_ =	sdelay $0x7  }
0x15: {  	[tilespmem:v2+s7+$0x0] =	vst.idx.add.f32.msk $0xffff, v1  }
0x16: {  	v2 =	vld [tilespmem:s10+$0x10];
	_ =	sdelay $0x7  }
0x17: {  	[tilespmem:v2+s7+$0x0] =	vst.idx.add.f32.msk $0xffff, v1  }
0x18: {  	v2 =	vld [tilespmem:s10+$0x20];
	_ =	sdelay $0x7  }
0x19: {  	[tilespmem:v2+s7+$0x0] =	vst.idx.add.f32.msk $0xffff, v1  }
0x1a: {  	v2 =	vld [tilespmem:s10+$0x30];
	_ =	sdelay $0x7  }
0x1b: {  	[tilespmem:v2+s7+$0x0] =	vst.idx.add.f32.msk $0xffff, v1  }
0x1c: {  	v2 =	vld [tilespmem:s10+$0x40];
	_ =	sdelay $0x7  }
0x1d: {  	[tilespmem:v2+s7+$0x0] =	vst.idx.add.f32.msk $0xffff, v1  }
0x1e: {  	v2 =	vld [tilespmem:s10+$0x50];
	_ =	sdelay $0x7  }
0x1f: {  	[tilespmem:v2+s7+$0x0] =	vst.idx.add.f32.msk $0xffff, v1  }
0x20: {  	v2 =	vld [tilespmem:s10+$0x60];
	_ =	sdelay $0x7  }
0x21: {  	[tilespmem:v2+s7+$0x0] =	vst.idx.add.f32.msk $0xffff, v1  }
0x22: {  	v2 =	vld [tilespmem:s10+$0x70];
	_ =	sdelay $0x2  }
0x23: {  	p0 =	sne.s32 s9, $0x9E00  }
.Ltmp1:
0x24: {  	_ = 	snop;
	(pc) =	sbr.rel @p0 .LBB2_4-.Ltmp1, $2  }
0x25: {  	_ =	sdelay $0x2  }
0x26: {  	s9 =	sadd.s32 $0x200, s9;
	[tilespmem:v2+s7+$0x0] =	vst.idx.add.f32.msk $0xffff, v1  }
0x27: {  	s8 =	sadd.s32 $0x1, s8  }
0x28: {  	p0 =	sne.s32 s8, s5  }
.Ltmp2:
0x29: {  	_ = 	snop;
	(pc) =	sbr.rel @p0 .LBB2_1-.Ltmp2, $4  }
0x2a: {  	[hbm4b:s4+s2] =	stream.linear.scatter [tilespmem:s7], [sflag:$0x1], $0x2800, $0x38;
	[tilespmem:$0x5000] =	vst v63  }
0x2b: {  	_ =	swait.ge [sflag:s6], $0x2800  }
0x2c: {  	[sflag:s6] =	ssyncset.done $0x0  }
0x2d: {  	[sflag:s6] =	ssyncadd.s32 $0xFFFFD800  }
0x2e: {  	_ =	sfence.sel $0x180000  }
0x2f: {  	[bflag:$0x0] =	sbarrier.arrive $0xFFFF  }
0x30: {  	p0 =	sne.s32 s1, $0x0;
	_ =	strace $0x90000047  }
0x31: {  	s0 =	sadd.s32 @!p0 $0x100000, s0;
	[bflag:$0x2] =	sbarrier.arrive $0xFFFF  }
0x32: {  	[sflag:s0] =	ssyncadd.tile.s32 @!p0 $0x1;
	_ =	shalt  }
.Lfunc_end2:
_tile_overlayer_lowered:
.L_overlay_start_2:
0x33: {  	(tag) =	ssettag $0x2  }
0x34: {  	s0 =	rddreg [dreg:$0x0];
	s2 =	stileid.u32  }
0x35: {  	s1 =	rddreg [dreg:$0x1];
	p0 =	sne.s32 s2, $0x0  }
0x36: {  	s3 =	rddreg [dreg:$0x2];
	[bflag:$0x3] =	sbarrier.arrive $0xFFFF;
	s2 =	simm.s32 @!p0 $0x1C01  }
0x37: {  	[timem:s3], [sflag:s2] =	dma.local @!p0 [hbm:s0], s1  }
0x38: {  	s0 =	simm.s32 @!p0 $0x1  }
0x39: {  	_ =	swait.ge @!p0 [sflag:s0], s1  }
0x3a: {  	s1 =	ssub.s32 @!p0 $0x0, s1;
	[sflag:s0] =	ssyncset.done @!p0 $0x0  }
0x3b: {  	[sflag:s0] =	ssyncadd.s32 @!p0 s1  }
0x3c: {  	[bflag:$0x3] =	sbarrier.arrive $0xFFFF  }
0x3d: {  	_ =	shalt  }

</sc_bundles>
